<compile_context>
chip_gen: v7x
topology: tpu7x:2x2x1
jax: 0.10.2.dev20260603
libtpu: 0.0.44.dev20260713+nightly
codegen_flags: <defaults>
</compile_context>

<pallas_src>
import functools

import jax
import jax.numpy as jnp
from jax import lax
from jax.experimental import pallas as pl
from jax.experimental.pallas import tpu as pltpu
from jax.experimental.pallas import tpu_sc as plsc

CHUNK = 128
K = 2
GROUP = K * CHUNK
NBUF = 4


@functools.cache
def _make_lookup(N, D):
    info = plsc.get_sparse_core_info()
    nw = info.num_cores * info.num_subcores
    b_per_w = N // nw
    n_chunks = b_per_w // CHUNK
    n_groups = n_chunks // K
    n_main = n_groups - NBUF
    assert n_main % NBUF == 0
    mesh = plsc.VectorSubcoreMesh(core_axis_name="c", subcore_axis_name="s")

    @functools.partial(
        pl.kernel,
        mesh=mesh,
        out_type=jax.ShapeDtypeStruct((N, D), jnp.float32),
        compiler_params=pltpu.CompilerParams(use_tc_tiling_on_sc=False),
        scratch_types=[
            pltpu.VMEM((n_chunks, CHUNK), jnp.int32),
            pltpu.VMEM((NBUF, GROUP, D), jnp.float32),
            [pltpu.SemaphoreType.DMA] * NBUF,
            [pltpu.SemaphoreType.DMA] * NBUF,
        ],
    )
    def lookup(idx_hbm, table_hbm, out_hbm, idx_v, bufs, gsems, osems):
        wid = lax.axis_index("s") * info.num_cores + lax.axis_index("c")
        base = wid * b_per_w
        pltpu.sync_copy(idx_hbm.at[pl.ds(wid * n_chunks, n_chunks)], idx_v)

        def fire_gathers(g, b):
            for j in range(K):
                pltpu.async_copy(
                    table_hbm.at[idx_v.at[g * K + j]],
                    bufs.at[b, pl.ds(j * CHUNK, CHUNK)],
                    gsems[b],
                )

        def drain_gathers(g, b):
            for j in range(K):
                pltpu.make_async_copy(
                    table_hbm.at[idx_v.at[g * K + j]],
                    bufs.at[b, pl.ds(j * CHUNK, CHUNK)],
                    gsems[b],
                ).wait()

        def fire_out(g, b):
            pltpu.async_copy(
                bufs.at[b], out_hbm.at[pl.ds(base + g * GROUP, GROUP)],
                osems[b],
            )

        def wait_out(g, b):
            pltpu.make_async_copy(
                bufs.at[b], out_hbm.at[pl.ds(base + g * GROUP, GROUP)],
                osems[b],
            ).wait()

        for b in range(NBUF):
            fire_gathers(b, b)

        def body(i, carry):
            for b in range(NBUF):
                t = i * NBUF + b
                drain_gathers(t, b)
                fire_out(t, b)
                wait_out(t, b)
                fire_gathers(t + NBUF, b)
            return carry

        lax.fori_loop(0, n_main // NBUF, body, 0)

        for b in range(NBUF):
            t = n_main + b
            drain_gathers(t, b)
            fire_out(t, b)
        for b in range(NBUF):
            wait_out(n_main + b, b)

    return lookup


def kernel(x, table):
    B, L = x.shape
    D = table.shape[1]
    idx = x.reshape(-1, CHUNK).astype(jnp.int32)
    out = _make_lookup(B * L, D)(idx, table)
    return out.reshape(B, L, D)

# --- scband reference (transcript-rebuilt; emitter-appended) ---
"""Pipeline reference for scband-token-embedding-25099788878375 (READ-ONLY COPY).

The authoritative reference and input builder live on the scoring server;
editing this copy changes nothing except your own understanding.
"""

import jax, jax.numpy as jnp
import numpy as np

VOCAB = 1000000
DIM = 64
B = 4096
L = 200

def setup_inputs(seed: int = 0) -> dict:
    key = jax.random.key(seed)
    k1, k2 = jax.random.split(key)
    x = jax.random.randint(k1, (B, L), 0, VOCAB, dtype=jnp.int64) if jax.config.jax_enable_x64 else jax.random.randint(k1, (B, L), 0, VOCAB, dtype=jnp.int32)
    table = jax.random.normal(k2, (VOCAB, DIM), dtype=jnp.float32) * 0.02
    return {"x": x, "table": table}

def reference(x, table):
    # nn.Embedding forward: row gather from the embedding table
    return jnp.take(table, x, axis=0)

if __name__ == "__main__":
    import jax
    _d = setup_inputs()
    print(jax.jit(kernel)(*tuple(_d.values())))

</pallas_src>

<mosaic_0001>
#map = affine_map<(d0, d1) -> (0, 0)>
module attributes {stable_mosaic.version = 14 : i64} {
  func.func @lookup(%arg0: i32, %arg1: i32, %arg2: memref<6400x128xi32, #tpu.memory_space<hbm>>, %arg3: memref<1000000x64xf32, #tpu.memory_space<hbm>>, %arg4: memref<819200x64xf32, #tpu.memory_space<hbm>>, %arg5: memref<200x128xi32, #tpu.memory_space<vmem>>, %arg6: memref<4x256x64xf32, #tpu.memory_space<vmem>>, %arg7: memref<!tpu.dma_semaphore, #tpu.memory_space<semaphore_mem>>, %arg8: memref<!tpu.dma_semaphore, #tpu.memory_space<semaphore_mem>>, %arg9: memref<!tpu.dma_semaphore, #tpu.memory_space<semaphore_mem>>, %arg10: memref<!tpu.dma_semaphore, #tpu.memory_space<semaphore_mem>>, %arg11: memref<!tpu.dma_semaphore, #tpu.memory_space<semaphore_mem>>, %arg12: memref<!tpu.dma_semaphore, #tpu.memory_space<semaphore_mem>>, %arg13: memref<!tpu.dma_semaphore, #tpu.memory_space<semaphore_mem>>, %arg14: memref<!tpu.dma_semaphore, #tpu.memory_space<semaphore_mem>>) attributes {dimension_semantics = [#tpu.dimension_semantics<core_parallel>, #tpu.dimension_semantics<subcore_parallel>], iteration_bounds = array<i64: 2, 16>, scalar_prefetch = 0 : i64, scratch_operands = 10 : i64, tpu.core_type = #tpu.core_type<sc_vector_subcore>, window_params = [{transform_indices = #map}, {transform_indices = #map}, {transform_indices = #map}]} {
    %mul3A = arith.constant 2 : i32
    %mul3A_0 = arith.muli %arg1, %mul3A : i32
    %add3A = arith.addi %mul3A_0, %arg0 : i32
    %mul3A_1 = arith.constant 25600 : i32
    %mul3A_2 = arith.muli %add3A, %mul3A_1 : i32
    %mul3A_3 = arith.constant 200 : i32
    %mul3A_4 = arith.muli %add3A, %mul3A_3 : i32
    "tpu.region"() ({
      %run_scoped3A = tpu.sem_alloc : memref<!tpu.dma_semaphore, #tpu.memory_space<semaphore_mem>>
      %dma_start3A_320 = arith.constant 0 : i32
      %dma_start3A_321 = tpu.memref_slice %arg2[%mul3A_4, %dma_start3A_320] : memref<6400x128xi32, #tpu.memory_space<hbm>> -> memref<200x128xi32, #tpu.memory_space<hbm>>
      %dma_start3A_322 = arith.constant 0 : i32
      %dma_start3A_323 = tpu.memref_slice %arg2[%mul3A_4, %dma_start3A_322] : memref<6400x128xi32, #tpu.memory_space<hbm>> -> memref<200x128xi32, #tpu.memory_space<hbm>>
      tpu.enqueue_dma source(%dma_start3A_323 : memref<200x128xi32, #tpu.memory_space<hbm>>) target(%arg5 : memref<200x128xi32, #tpu.memory_space<vmem>>) target_semaphore(%run_scoped3A : memref<!tpu.dma_semaphore, #tpu.memory_space<semaphore_mem>>)
      %dma_wait3A_324 = arith.constant 0 : i32
      %dma_wait3A_325 = tpu.memref_slice %arg2[%mul3A_4, %dma_wait3A_324] : memref<6400x128xi32, #tpu.memory_space<hbm>> -> memref<200x128xi32, #tpu.memory_space<hbm>>
      %dma_wait3A_326 = arith.constant 0 : i32
      %dma_wait3A_327 = tpu.memref_slice %arg2[%mul3A_4, %dma_wait3A_326] : memref<6400x128xi32, #tpu.memory_space<hbm>> -> memref<200x128xi32, #tpu.memory_space<hbm>>
      tpu.wait_dma2 semaphore(%run_scoped3A : memref<!tpu.dma_semaphore, #tpu.memory_space<semaphore_mem>>) src(%dma_wait3A_327 : memref<200x128xi32, #tpu.memory_space<hbm>>) dst(%arg5 : memref<200x128xi32, #tpu.memory_space<vmem>>)
      tpu.yield
    }) : () -> ()
    %dma_start3A = arith.constant 0 : i32
    %dma_start3A_5 = arith.constant 0 : i32
    %dma_start3A_6 = arith.constant 0 : i32
    %dma_start3A_7 = arith.constant 0 : i32
    %dma_start3A_8 = tpu.memref_slice %arg6[%dma_start3A_5, %dma_start3A_6, %dma_start3A_7] : memref<4x256x64xf32, #tpu.memory_space<vmem>> -> memref<1x128x64xf32, #tpu.memory_space<vmem>>
    %dma_start3A_9 = tpu.memref_squeeze %dma_start3A_8 : memref<1x128x64xf32, #tpu.memory_space<vmem>> -> memref<128x64xf32, #tpu.memory_space<vmem>>
    %dma_start3A_10 = arith.constant 0 : i32
    %dma_start3A_11 = tpu.memref_slice %arg5[%dma_start3A, %dma_start3A_10] : memref<200x128xi32, #tpu.memory_space<vmem>> -> memref<1x128xi32, #tpu.memory_space<vmem>>
    %dma_start3A_12 = tpu.memref_squeeze %dma_start3A_11 : memref<1x128xi32, #tpu.memory_space<vmem>> -> memref<128xi32, #tpu.memory_space<vmem>>
    %dma_start3A_13 = arith.constant 0 : i32
    %dma_start3A_14 = arith.constant 0 : i32
    %dma_start3A_15 = tpu.memref_slice %arg3[%dma_start3A_13, %dma_start3A_14] : memref<1000000x64xf32, #tpu.memory_space<hbm>> -> memref<1000000x64xf32, #tpu.memory_space<hbm>>
    tpu.enqueue_indirect_dma source(%dma_start3A_15 : memref<1000000x64xf32, #tpu.memory_space<hbm>>) target(%dma_start3A_9 : memref<128x64xf32, #tpu.memory_space<vmem>>) offsets(%dma_start3A_12 : memref<128xi32, #tpu.memory_space<vmem>>) semaphore(%arg7 : memref<!tpu.dma_semaphore, #tpu.memory_space<semaphore_mem>>)
    %dma_start3A_16 = arith.constant 1 : i32
    %dma_start3A_17 = arith.constant 0 : i32
    %dma_start3A_18 = arith.constant 128 : i32
    %dma_start3A_19 = arith.constant 0 : i32
    %dma_start3A_20 = tpu.memref_slice %arg6[%dma_start3A_17, %dma_start3A_18, %dma_start3A_19] : memref<4x256x64xf32, #tpu.memory_space<vmem>> -> memref<1x128x64xf32, #tpu.memory_space<vmem>>
    %dma_start3A_21 = tpu.memref_squeeze %dma_start3A_20 : memref<1x128x64xf32, #tpu.memory_space<vmem>> -> memref<128x64xf32, #tpu.memory_space<vmem>>
    %dma_start3A_22 = arith.constant 0 : i32
    %dma_start3A_23 = tpu.memref_slice %arg5[%dma_start3A_16, %dma_start3A_22] : memref<200x128xi32, #tpu.memory_space<vmem>> -> memref<1x128xi32, #tpu.memory_space<vmem>>
    %dma_start3A_24 = tpu.memref_squeeze %dma_start3A_23 : memref<1x128xi32, #tpu.memory_space<vmem>> -> memref<128xi32, #tpu.memory_space<vmem>>
    %dma_start3A_25 = arith.constant 0 : i32
    %dma_start3A_26 = arith.constant 0 : i32
    %dma_start3A_27 = tpu.memref_slice %arg3[%dma_start3A_25, %dma_start3A_26] : memref<1000000x64xf32, #tpu.memory_space<hbm>> -> memref<1000000x64xf32, #tpu.memory_space<hbm>>
    tpu.enqueue_indirect_dma source(%dma_start3A_27 : memref<1000000x64xf32, #tpu.memory_space<hbm>>) target(%dma_start3A_21 : memref<128x64xf32, #tpu.memory_space<vmem>>) offsets(%dma_start3A_24 : memref<128xi32, #tpu.memory_space<vmem>>) semaphore(%arg7 : memref<!tpu.dma_semaphore, #tpu.memory_space<semaphore_mem>>)
    %dma_start3A_28 = arith.constant 2 : i32
    %dma_start3A_29 = arith.constant 1 : i32
    %dma_start3A_30 = arith.constant 0 : i32
    %dma_start3A_31 = arith.constant 0 : i32
    %dma_start3A_32 = tpu.memref_slice %arg6[%dma_start3A_29, %dma_start3A_30, %dma_start3A_31] : memref<4x256x64xf32, #tpu.memory_space<vmem>> -> memref<1x128x64xf32, #tpu.memory_space<vmem>>
    %dma_start3A_33 = tpu.memref_squeeze %dma_start3A_32 : memref<1x128x64xf32, #tpu.memory_space<vmem>> -> memref<128x64xf32, #tpu.memory_space<vmem>>
    %dma_start3A_34 = arith.constant 0 : i32
    %dma_start3A_35 = tpu.memref_slice %arg5[%dma_start3A_28, %dma_start3A_34] : memref<200x128xi32, #tpu.memory_space<vmem>> -> memref<1x128xi32, #tpu.memory_space<vmem>>
    %dma_start3A_36 = tpu.memref_squeeze %dma_start3A_35 : memref<1x128xi32, #tpu.memory_space<vmem>> -> memref<128xi32, #tpu.memory_space<vmem>>
    %dma_start3A_37 = arith.constant 0 : i32
    %dma_start3A_38 = arith.constant 0 : i32
    %dma_start3A_39 = tpu.memref_slice %arg3[%dma_start3A_37, %dma_start3A_38] : memref<1000000x64xf32, #tpu.memory_space<hbm>> -> memref<1000000x64xf32, #tpu.memory_space<hbm>>
    tpu.enqueue_indirect_dma source(%dma_start3A_39 : memref<1000000x64xf32, #tpu.memory_space<hbm>>) target(%dma_start3A_33 : memref<128x64xf32, #tpu.memory_space<vmem>>) offsets(%dma_start3A_36 : memref<128xi32, #tpu.memory_space<vmem>>) semaphore(%arg8 : memref<!tpu.dma_semaphore, #tpu.memory_space<semaphore_mem>>)
    %dma_start3A_40 = arith.constant 3 : i32
    %dma_start3A_41 = arith.constant 1 : i32
    %dma_start3A_42 = arith.constant 128 : i32
    %dma_start3A_43 = arith.constant 0 : i32
    %dma_start3A_44 = tpu.memref_slice %arg6[%dma_start3A_41, %dma_start3A_42, %dma_start3A_43] : memref<4x256x64xf32, #tpu.memory_space<vmem>> -> memref<1x128x64xf32, #tpu.memory_space<vmem>>
    %dma_start3A_45 = tpu.memref_squeeze %dma_start3A_44 : memref<1x128x64xf32, #tpu.memory_space<vmem>> -> memref<128x64xf32, #tpu.memory_space<vmem>>
    %dma_start3A_46 = arith.constant 0 : i32
    %dma_start3A_47 = tpu.memref_slice %arg5[%dma_start3A_40, %dma_start3A_46] : memref<200x128xi32, #tpu.memory_space<vmem>> -> memref<1x128xi32, #tpu.memory_space<vmem>>
    %dma_start3A_48 = tpu.memref_squeeze %dma_start3A_47 : memref<1x128xi32, #tpu.memory_space<vmem>> -> memref<128xi32, #tpu.memory_space<vmem>>
    %dma_start3A_49 = arith.constant 0 : i32
    %dma_start3A_50 = arith.constant 0 : i32
    %dma_start3A_51 = tpu.memref_slice %arg3[%dma_start3A_49, %dma_start3A_50] : memref<1000000x64xf32, #tpu.memory_space<hbm>> -> memref<1000000x64xf32, #tpu.memory_space<hbm>>
    tpu.enqueue_indirect_dma source(%dma_start3A_51 : memref<1000000x64xf32, #tpu.memory_space<hbm>>) target(%dma_start3A_45 : memref<128x64xf32, #tpu.memory_space<vmem>>) offsets(%dma_start3A_48 : memref<128xi32, #tpu.memory_space<vmem>>) semaphore(%arg8 : memref<!tpu.dma_semaphore, #tpu.memory_space<semaphore_mem>>)
    %dma_start3A_52 = arith.constant 4 : i32
    %dma_start3A_53 = arith.constant 2 : i32
    %dma_start3A_54 = arith.constant 0 : i32
    %dma_start3A_55 = arith.constant 0 : i32
    %dma_start3A_56 = tpu.memref_slice %arg6[%dma_start3A_53, %dma_start3A_54, %dma_start3A_55] : memref<4x256x64xf32, #tpu.memory_space<vmem>> -> memref<1x128x64xf32, #tpu.memory_space<vmem>>
    %dma_start3A_57 = tpu.memref_squeeze %dma_start3A_56 : memref<1x128x64xf32, #tpu.memory_space<vmem>> -> memref<128x64xf32, #tpu.memory_space<vmem>>
    %dma_start3A_58 = arith.constant 0 : i32
    %dma_start3A_59 = tpu.memref_slice %arg5[%dma_start3A_52, %dma_start3A_58] : memref<200x128xi32, #tpu.memory_space<vmem>> -> memref<1x128xi32, #tpu.memory_space<vmem>>
    %dma_start3A_60 = tpu.memref_squeeze %dma_start3A_59 : memref<1x128xi32, #tpu.memory_space<vmem>> -> memref<128xi32, #tpu.memory_space<vmem>>
    %dma_start3A_61 = arith.constant 0 : i32
    %dma_start3A_62 = arith.constant 0 : i32
    %dma_start3A_63 = tpu.memref_slice %arg3[%dma_start3A_61, %dma_start3A_62] : memref<1000000x64xf32, #tpu.memory_space<hbm>> -> memref<1000000x64xf32, #tpu.memory_space<hbm>>
    tpu.enqueue_indirect_dma source(%dma_start3A_63 : memref<1000000x64xf32, #tpu.memory_space<hbm>>) target(%dma_start3A_57 : memref<128x64xf32, #tpu.memory_space<vmem>>) offsets(%dma_start3A_60 : memref<128xi32, #tpu.memory_space<vmem>>) semaphore(%arg9 : memref<!tpu.dma_semaphore, #tpu.memory_space<semaphore_mem>>)
    %dma_start3A_64 = arith.constant 5 : i32
    %dma_start3A_65 = arith.constant 2 : i32
    %dma_start3A_66 = arith.constant 128 : i32
    %dma_start3A_67 = arith.constant 0 : i32
    %dma_start3A_68 = tpu.memref_slice %arg6[%dma_start3A_65, %dma_start3A_66, %dma_start3A_67] : memref<4x256x64xf32, #tpu.memory_space<vmem>> -> memref<1x128x64xf32, #tpu.memory_space<vmem>>
    %dma_start3A_69 = tpu.memref_squeeze %dma_start3A_68 : memref<1x128x64xf32, #tpu.memory_space<vmem>> -> memref<128x64xf32, #tpu.memory_space<vmem>>
    %dma_start3A_70 = arith.constant 0 : i32
    %dma_start3A_71 = tpu.memref_slice %arg5[%dma_start3A_64, %dma_start3A_70] : memref<200x128xi32, #tpu.memory_space<vmem>> -> memref<1x128xi32, #tpu.memory_space<vmem>>
    %dma_start3A_72 = tpu.memref_squeeze %dma_start3A_71 : memref<1x128xi32, #tpu.memory_space<vmem>> -> memref<128xi32, #tpu.memory_space<vmem>>
    %dma_start3A_73 = arith.constant 0 : i32
    %dma_start3A_74 = arith.constant 0 : i32
    %dma_start3A_75 = tpu.memref_slice %arg3[%dma_start3A_73, %dma_start3A_74] : memref<1000000x64xf32, #tpu.memory_space<hbm>> -> memref<1000000x64xf32, #tpu.memory_space<hbm>>
    tpu.enqueue_indirect_dma source(%dma_start3A_75 : memref<1000000x64xf32, #tpu.memory_space<hbm>>) target(%dma_start3A_69 : memref<128x64xf32, #tpu.memory_space<vmem>>) offsets(%dma_start3A_72 : memref<128xi32, #tpu.memory_space<vmem>>) semaphore(%arg9 : memref<!tpu.dma_semaphore, #tpu.memory_space<semaphore_mem>>)
    %dma_start3A_76 = arith.constant 6 : i32
    %dma_start3A_77 = arith.constant 3 : i32
    %dma_start3A_78 = arith.constant 0 : i32
    %dma_start3A_79 = arith.constant 0 : i32
    %dma_start3A_80 = tpu.memref_slice %arg6[%dma_start3A_77, %dma_start3A_78, %dma_start3A_79] : memref<4x256x64xf32, #tpu.memory_space<vmem>> -> memref<1x128x64xf32, #tpu.memory_space<vmem>>
    %dma_start3A_81 = tpu.memref_squeeze %dma_start3A_80 : memref<1x128x64xf32, #tpu.memory_space<vmem>> -> memref<128x64xf32, #tpu.memory_space<vmem>>
    %dma_start3A_82 = arith.constant 0 : i32
    %dma_start3A_83 = tpu.memref_slice %arg5[%dma_start3A_76, %dma_start3A_82] : memref<200x128xi32, #tpu.memory_space<vmem>> -> memref<1x128xi32, #tpu.memory_space<vmem>>
    %dma_start3A_84 = tpu.memref_squeeze %dma_start3A_83 : memref<1x128xi32, #tpu.memory_space<vmem>> -> memref<128xi32, #tpu.memory_space<vmem>>
    %dma_start3A_85 = arith.constant 0 : i32
    %dma_start3A_86 = arith.constant 0 : i32
    %dma_start3A_87 = tpu.memref_slice %arg3[%dma_start3A_85, %dma_start3A_86] : memref<1000000x64xf32, #tpu.memory_space<hbm>> -> memref<1000000x64xf32, #tpu.memory_space<hbm>>
    tpu.enqueue_indirect_dma source(%dma_start3A_87 : memref<1000000x64xf32, #tpu.memory_space<hbm>>) target(%dma_start3A_81 : memref<128x64xf32, #tpu.memory_space<vmem>>) offsets(%dma_start3A_84 : memref<128xi32, #tpu.memory_space<vmem>>) semaphore(%arg10 : memref<!tpu.dma_semaphore, #tpu.memory_space<semaphore_mem>>)
    %dma_start3A_88 = arith.constant 7 : i32
    %dma_start3A_89 = arith.constant 3 : i32
    %dma_start3A_90 = arith.constant 128 : i32
    %dma_start3A_91 = arith.constant 0 : i32
    %dma_start3A_92 = tpu.memref_slice %arg6[%dma_start3A_89, %dma_start3A_90, %dma_start3A_91] : memref<4x256x64xf32, #tpu.memory_space<vmem>> -> memref<1x128x64xf32, #tpu.memory_space<vmem>>
    %dma_start3A_93 = tpu.memref_squeeze %dma_start3A_92 : memref<1x128x64xf32, #tpu.memory_space<vmem>> -> memref<128x64xf32, #tpu.memory_space<vmem>>
    %dma_start3A_94 = arith.constant 0 : i32
    %dma_start3A_95 = tpu.memref_slice %arg5[%dma_start3A_88, %dma_start3A_94] : memref<200x128xi32, #tpu.memory_space<vmem>> -> memref<1x128xi32, #tpu.memory_space<vmem>>
    %dma_start3A_96 = tpu.memref_squeeze %dma_start3A_95 : memref<1x128xi32, #tpu.memory_space<vmem>> -> memref<128xi32, #tpu.memory_space<vmem>>
    %dma_start3A_97 = arith.constant 0 : i32
    %dma_start3A_98 = arith.constant 0 : i32
    %dma_start3A_99 = tpu.memref_slice %arg3[%dma_start3A_97, %dma_start3A_98] : memref<1000000x64xf32, #tpu.memory_space<hbm>> -> memref<1000000x64xf32, #tpu.memory_space<hbm>>
    tpu.enqueue_indirect_dma source(%dma_start3A_99 : memref<1000000x64xf32, #tpu.memory_space<hbm>>) target(%dma_start3A_93 : memref<128x64xf32, #tpu.memory_space<vmem>>) offsets(%dma_start3A_96 : memref<128xi32, #tpu.memory_space<vmem>>) semaphore(%arg10 : memref<!tpu.dma_semaphore, #tpu.memory_space<semaphore_mem>>)
    %scan3A = arith.constant 0 : i32
    %scan3A_100 = arith.constant 0 : i32
    %scan3A_101 = arith.constant 24 : i32
    %scan3A_102 = arith.addi %scan3A_100, %scan3A_101 : i32
    %scan3A_103 = arith.constant 1 : i32
    scf.for %scan3A_320 = %scan3A_100 to %scan3A_102 step %scan3A_103  : i32 {
      %mul3A_321 = arith.constant 4 : i32
      %mul3A_322 = arith.muli %scan3A_320, %mul3A_321 : i32
      %add3A_323 = arith.constant 0 : i32
      %add3A_324 = arith.addi %mul3A_322, %add3A_323 : i32
      %mul3A_325 = arith.constant 2 : i32
      %mul3A_326 = arith.muli %add3A_324, %mul3A_325 : i32
      %add3A_327 = arith.constant 0 : i32
      %add3A_328 = arith.addi %mul3A_326, %add3A_327 : i32
      %dma_wait3A_329 = arith.constant 0 : i32
      %dma_wait3A_330 = arith.constant 0 : i32
      %dma_wait3A_331 = arith.constant 0 : i32
      %dma_wait3A_332 = tpu.memref_slice %arg6[%dma_wait3A_329, %dma_wait3A_330, %dma_wait3A_331] : memref<4x256x64xf32, #tpu.memory_space<vmem>> -> memref<1x128x64xf32, #tpu.memory_space<vmem>>
      %dma_wait3A_333 = tpu.memref_squeeze %dma_wait3A_332 : memref<1x128x64xf32, #tpu.memory_space<vmem>> -> memref<128x64xf32, #tpu.memory_space<vmem>>
      %dma_wait3A_334 = arith.constant 0 : i32
      %dma_wait3A_335 = tpu.memref_slice %arg5[%add3A_328, %dma_wait3A_334] : memref<200x128xi32, #tpu.memory_space<vmem>> -> memref<1x128xi32, #tpu.memory_space<vmem>>
      %dma_wait3A_336 = tpu.memref_squeeze %dma_wait3A_335 : memref<1x128xi32, #tpu.memory_space<vmem>> -> memref<128xi32, #tpu.memory_space<vmem>>
      %dma_wait3A_337 = arith.constant 0 : i32
      %dma_wait3A_338 = arith.constant 0 : i32
      %dma_wait3A_339 = tpu.memref_slice %arg3[%dma_wait3A_337, %dma_wait3A_338] : memref<1000000x64xf32, #tpu.memory_space<hbm>> -> memref<1000000x64xf32, #tpu.memory_space<hbm>>
      tpu.wait_indirect_dma semaphore(%arg7 : memref<!tpu.dma_semaphore, #tpu.memory_space<semaphore_mem>>) src(%dma_wait3A_339 : memref<1000000x64xf32, #tpu.memory_space<hbm>>) dst(%dma_wait3A_333 : memref<128x64xf32, #tpu.memory_space<vmem>>)
      %mul3A_340 = arith.constant 2 : i32
      %mul3A_341 = arith.muli %add3A_324, %mul3A_340 : i32
      %add3A_342 = arith.constant 1 : i32
      %add3A_343 = arith.addi %mul3A_341, %add3A_342 : i32
      %dma_wait3A_344 = arith.constant 0 : i32
      %dma_wait3A_345 = arith.constant 128 : i32
      %dma_wait3A_346 = arith.constant 0 : i32
      %dma_wait3A_347 = tpu.memref_slice %arg6[%dma_wait3A_344, %dma_wait3A_345, %dma_wait3A_346] : memref<4x256x64xf32, #tpu.memory_space<vmem>> -> memref<1x128x64xf32, #tpu.memory_space<vmem>>
      %dma_wait3A_348 = tpu.memref_squeeze %dma_wait3A_347 : memref<1x128x64xf32, #tpu.memory_space<vmem>> -> memref<128x64xf32, #tpu.memory_space<vmem>>
      %dma_wait3A_349 = arith.constant 0 : i32
      %dma_wait3A_350 = tpu.memref_slice %arg5[%add3A_343, %dma_wait3A_349] : memref<200x128xi32, #tpu.memory_space<vmem>> -> memref<1x128xi32, #tpu.memory_space<vmem>>
      %dma_wait3A_351 = tpu.memref_squeeze %dma_wait3A_350 : memref<1x128xi32, #tpu.memory_space<vmem>> -> memref<128xi32, #tpu.memory_space<vmem>>
      %dma_wait3A_352 = arith.constant 0 : i32
      %dma_wait3A_353 = arith.constant 0 : i32
      %dma_wait3A_354 = tpu.memref_slice %arg3[%dma_wait3A_352, %dma_wait3A_353] : memref<1000000x64xf32, #tpu.memory_space<hbm>> -> memref<1000000x64xf32, #tpu.memory_space<hbm>>
      tpu.wait_indirect_dma semaphore(%arg7 : memref<!tpu.dma_semaphore, #tpu.memory_space<semaphore_mem>>) src(%dma_wait3A_354 : memref<1000000x64xf32, #tpu.memory_space<hbm>>) dst(%dma_wait3A_348 : memref<128x64xf32, #tpu.memory_space<vmem>>)
      %mul3A_355 = arith.constant 256 : i32
      %mul3A_356 = arith.muli %add3A_324, %mul3A_355 : i32
      %add3A_357 = arith.addi %mul3A_2, %mul3A_356 : i32
      %dma_start3A_358 = arith.constant 0 : i32
      %dma_start3A_359 = arith.constant 0 : i32
      %dma_start3A_360 = arith.constant 0 : i32
      %dma_start3A_361 = tpu.memref_slice %arg6[%dma_start3A_358, %dma_start3A_359, %dma_start3A_360] : memref<4x256x64xf32, #tpu.memory_space<vmem>> -> memref<1x256x64xf32, #tpu.memory_space<vmem>>
      %dma_start3A_362 = tpu.memref_squeeze %dma_start3A_361 : memref<1x256x64xf32, #tpu.memory_space<vmem>> -> memref<256x64xf32, #tpu.memory_space<vmem>>
      %dma_start3A_363 = arith.constant 0 : i32
      %dma_start3A_364 = tpu.memref_slice %arg4[%add3A_357, %dma_start3A_363] : memref<819200x64xf32, #tpu.memory_space<hbm>> -> memref<256x64xf32, #tpu.memory_space<hbm>>
      %dma_start3A_365 = arith.constant 0 : i32
      %dma_start3A_366 = tpu.memref_slice %arg4[%add3A_357, %dma_start3A_365] : memref<819200x64xf32, #tpu.memory_space<hbm>> -> memref<256x64xf32, #tpu.memory_space<hbm>>
      %dma_start3A_367 = arith.constant 0 : i32
      %dma_start3A_368 = arith.constant 0 : i32
      %dma_start3A_369 = tpu.memref_slice %arg6[%dma_start3A_358, %dma_start3A_367, %dma_start3A_368] : memref<4x256x64xf32, #tpu.memory_space<vmem>> -> memref<1x256x64xf32, #tpu.memory_space<vmem>>
      %dma_start3A_370 = tpu.memref_squeeze %dma_start3A_369 : memref<1x256x64xf32, #tpu.memory_space<vmem>> -> memref<256x64xf32, #tpu.memory_space<vmem>>
      tpu.enqueue_dma source(%dma_start3A_370 : memref<256x64xf32, #tpu.memory_space<vmem>>) target(%dma_start3A_366 : memref<256x64xf32, #tpu.memory_space<hbm>>) target_semaphore(%arg11 : memref<!tpu.dma_semaphore, #tpu.memory_space<semaphore_mem>>)
      %mul3A_371 = arith.constant 256 : i32
      %mul3A_372 = arith.muli %add3A_324, %mul3A_371 : i32
      %add3A_373 = arith.addi %mul3A_2, %mul3A_372 : i32
      %dma_wait3A_374 = arith.constant 0 : i32
      %dma_wait3A_375 = arith.constant 0 : i32
      %dma_wait3A_376 = arith.constant 0 : i32
      %dma_wait3A_377 = tpu.memref_slice %arg6[%dma_wait3A_374, %dma_wait3A_375, %dma_wait3A_376] : memref<4x256x64xf32, #tpu.memory_space<vmem>> -> memref<1x256x64xf32, #tpu.memory_space<vmem>>
      %dma_wait3A_378 = tpu.memref_squeeze %dma_wait3A_377 : memref<1x256x64xf32, #tpu.memory_space<vmem>> -> memref<256x64xf32, #tpu.memory_space<vmem>>
      %dma_wait3A_379 = arith.constant 0 : i32
      %dma_wait3A_380 = tpu.memref_slice %arg4[%add3A_373, %dma_wait3A_379] : memref<819200x64xf32, #tpu.memory_space<hbm>> -> memref<256x64xf32, #tpu.memory_space<hbm>>
      %dma_wait3A_381 = arith.constant 0 : i32
      %dma_wait3A_382 = tpu.memref_slice %arg4[%add3A_373, %dma_wait3A_381] : memref<819200x64xf32, #tpu.memory_space<hbm>> -> memref<256x64xf32, #tpu.memory_space<hbm>>
      %dma_wait3A_383 = arith.constant 0 : i32
      %dma_wait3A_384 = arith.constant 0 : i32
      %dma_wait3A_385 = tpu.memref_slice %arg6[%dma_wait3A_374, %dma_wait3A_383, %dma_wait3A_384] : memref<4x256x64xf32, #tpu.memory_space<vmem>> -> memref<1x256x64xf32, #tpu.memory_space<vmem>>
      %dma_wait3A_386 = tpu.memref_squeeze %dma_wait3A_385 : memref<1x256x64xf32, #tpu.memory_space<vmem>> -> memref<256x64xf32, #tpu.memory_space<vmem>>
      tpu.wait_dma2 semaphore(%arg11 : memref<!tpu.dma_semaphore, #tpu.memory_space<semaphore_mem>>) src(%dma_wait3A_386 : memref<256x64xf32, #tpu.memory_space<vmem>>) dst(%dma_wait3A_382 : memref<256x64xf32, #tpu.memory_space<hbm>>)
      %add3A_387 = arith.constant 4 : i32
      %add3A_388 = arith.addi %add3A_324, %add3A_387 : i32
      %mul3A_389 = arith.constant 2 : i32
      %mul3A_390 = arith.muli %add3A_388, %mul3A_389 : i32
      %add3A_391 = arith.constant 0 : i32
      %add3A_392 = arith.addi %mul3A_390, %add3A_391 : i32
      %dma_start3A_393 = arith.constant 0 : i32
      %dma_start3A_394 = arith.constant 0 : i32
      %dma_start3A_395 = arith.constant 0 : i32
      %dma_start3A_396 = tpu.memref_slice %arg6[%dma_start3A_393, %dma_start3A_394, %dma_start3A_395] : memref<4x256x64xf32, #tpu.memory_space<vmem>> -> memref<1x128x64xf32, #tpu.memory_space<vmem>>
      %dma_start3A_397 = tpu.memref_squeeze %dma_start3A_396 : memref<1x128x64xf32, #tpu.memory_space<vmem>> -> memref<128x64xf32, #tpu.memory_space<vmem>>
      %dma_start3A_398 = arith.constant 0 : i32
      %dma_start3A_399 = tpu.memref_slice %arg5[%add3A_392, %dma_start3A_398] : memref<200x128xi32, #tpu.memory_space<vmem>> -> memref<1x128xi32, #tpu.memory_space<vmem>>
      %dma_start3A_400 = tpu.memref_squeeze %dma_start3A_399 : memref<1x128xi32, #tpu.memory_space<vmem>> -> memref<128xi32, #tpu.memory_space<vmem>>
      %dma_start3A_401 = arith.constant 0 : i32
      %dma_start3A_402 = arith.constant 0 : i32
      %dma_start3A_403 = tpu.memref_slice %arg3[%dma_start3A_401, %dma_start3A_402] : memref<1000000x64xf32, #tpu.memory_space<hbm>> -> memref<1000000x64xf32, #tpu.memory_space<hbm>>
      tpu.enqueue_indirect_dma source(%dma_start3A_403 : memref<1000000x64xf32, #tpu.memory_space<hbm>>) target(%dma_start3A_397 : memref<128x64xf32, #tpu.memory_space<vmem>>) offsets(%dma_start3A_400 : memref<128xi32, #tpu.memory_space<vmem>>) semaphore(%arg7 : memref<!tpu.dma_semaphore, #tpu.memory_space<semaphore_mem>>)
      %mul3A_404 = arith.constant 2 : i32
      %mul3A_405 = arith.muli %add3A_388, %mul3A_404 : i32
      %add3A_406 = arith.constant 1 : i32
      %add3A_407 = arith.addi %mul3A_405, %add3A_406 : i32
      %dma_start3A_408 = arith.constant 0 : i32
      %dma_start3A_409 = arith.constant 128 : i32
      %dma_start3A_410 = arith.constant 0 : i32
      %dma_start3A_411 = tpu.memref_slice %arg6[%dma_start3A_408, %dma_start3A_409, %dma_start3A_410] : memref<4x256x64xf32, #tpu.memory_space<vmem>> -> memref<1x128x64xf32, #tpu.memory_space<vmem>>
      %dma_start3A_412 = tpu.memref_squeeze %dma_start3A_411 : memref<1x128x64xf32, #tpu.memory_space<vmem>> -> memref<128x64xf32, #tpu.memory_space<vmem>>
      %dma_start3A_413 = arith.constant 0 : i32
      %dma_start3A_414 = tpu.memref_slice %arg5[%add3A_407, %dma_start3A_413] : memref<200x128xi32, #tpu.memory_space<vmem>> -> memref<1x128xi32, #tpu.memory_space<vmem>>
      %dma_start3A_415 = tpu.memref_squeeze %dma_start3A_414 : memref<1x128xi32, #tpu.memory_space<vmem>> -> memref<128xi32, #tpu.memory_space<vmem>>
      %dma_start3A_416 = arith.constant 0 : i32
      %dma_start3A_417 = arith.constant 0 : i32
      %dma_start3A_418 = tpu.memref_slice %arg3[%dma_start3A_416, %dma_start3A_417] : memref<1000000x64xf32, #tpu.memory_space<hbm>> -> memref<1000000x64xf32, #tpu.memory_space<hbm>>
      tpu.enqueue_indirect_dma source(%dma_start3A_418 : memref<1000000x64xf32, #tpu.memory_space<hbm>>) target(%dma_start3A_412 : memref<128x64xf32, #tpu.memory_space<vmem>>) offsets(%dma_start3A_415 : memref<128xi32, #tpu.memory_space<vmem>>) semaphore(%arg7 : memref<!tpu.dma_semaphore, #tpu.memory_space<semaphore_mem>>)
      %mul3A_419 = arith.constant 4 : i32
      %mul3A_420 = arith.muli %scan3A_320, %mul3A_419 : i32
      %add3A_421 = arith.constant 1 : i32
      %add3A_422 = arith.addi %mul3A_420, %add3A_421 : i32
      %mul3A_423 = arith.constant 2 : i32
      %mul3A_424 = arith.muli %add3A_422, %mul3A_423 : i32
      %add3A_425 = arith.constant 0 : i32
      %add3A_426 = arith.addi %mul3A_424, %add3A_425 : i32
      %dma_wait3A_427 = arith.constant 1 : i32
      %dma_wait3A_428 = arith.constant 0 : i32
      %dma_wait3A_429 = arith.constant 0 : i32
      %dma_wait3A_430 = tpu.memref_slice %arg6[%dma_wait3A_427, %dma_wait3A_428, %dma_wait3A_429] : memref<4x256x64xf32, #tpu.memory_space<vmem>> -> memref<1x128x64xf32, #tpu.memory_space<vmem>>
      %dma_wait3A_431 = tpu.memref_squeeze %dma_wait3A_430 : memref<1x128x64xf32, #tpu.memory_space<vmem>> -> memref<128x64xf32, #tpu.memory_space<vmem>>
      %dma_wait3A_432 = arith.constant 0 : i32
      %dma_wait3A_433 = tpu.memref_slice %arg5[%add3A_426, %dma_wait3A_432] : memref<200x128xi32, #tpu.memory_space<vmem>> -> memref<1x128xi32, #tpu.memory_space<vmem>>
      %dma_wait3A_434 = tpu.memref_squeeze %dma_wait3A_433 : memref<1x128xi32, #tpu.memory_space<vmem>> -> memref<128xi32, #tpu.memory_space<vmem>>
      %dma_wait3A_435 = arith.constant 0 : i32
      %dma_wait3A_436 = arith.constant 0 : i32
      %dma_wait3A_437 = tpu.memref_slice %arg3[%dma_wait3A_435, %dma_wait3A_436] : memref<1000000x64xf32, #tpu.memory_space<hbm>> -> memref<1000000x64xf32, #tpu.memory_space<hbm>>
      tpu.wait_indirect_dma semaphore(%arg8 : memref<!tpu.dma_semaphore, #tpu.memory_space<semaphore_mem>>) src(%dma_wait3A_437 : memref<1000000x64xf32, #tpu.memory_space<hbm>>) dst(%dma_wait3A_431 : memref<128x64xf32, #tpu.memory_space<vmem>>)
      %mul3A_438 = arith.constant 2 : i32
      %mul3A_439 = arith.muli %add3A_422, %mul3A_438 : i32
      %add3A_440 = arith.constant 1 : i32
      %add3A_441 = arith.addi %mul3A_439, %add3A_440 : i32
      %dma_wait3A_442 = arith.constant 1 : i32
      %dma_wait3A_443 = arith.constant 128 : i32
      %dma_wait3A_444 = arith.constant 0 : i32
      %dma_wait3A_445 = tpu.memref_slice %arg6[%dma_wait3A_442, %dma_wait3A_443, %dma_wait3A_444] : memref<4x256x64xf32, #tpu.memory_space<vmem>> -> memref<1x128x64xf32, #tpu.memory_space<vmem>>
      %dma_wait3A_446 = tpu.memref_squeeze %dma_wait3A_445 : memref<1x128x64xf32, #tpu.memory_space<vmem>> -> memref<128x64xf32, #tpu.memory_space<vmem>>
      %dma_wait3A_447 = arith.constant 0 : i32
      %dma_wait3A_448 = tpu.memref_slice %arg5[%add3A_441, %dma_wait3A_447] : memref<200x128xi32, #tpu.memory_space<vmem>> -> memref<1x128xi32, #tpu.memory_space<vmem>>
      %dma_wait3A_449 = tpu.memref_squeeze %dma_wait3A_448 : memref<1x128xi32, #tpu.memory_space<vmem>> -> memref<128xi32, #tpu.memory_space<vmem>>
      %dma_wait3A_450 = arith.constant 0 : i32
      %dma_wait3A_451 = arith.constant 0 : i32
      %dma_wait3A_452 = tpu.memref_slice %arg3[%dma_wait3A_450, %dma_wait3A_451] : memref<1000000x64xf32, #tpu.memory_space<hbm>> -> memref<1000000x64xf32, #tpu.memory_space<hbm>>
      tpu.wait_indirect_dma semaphore(%arg8 : memref<!tpu.dma_semaphore, #tpu.memory_space<semaphore_mem>>) src(%dma_wait3A_452 : memref<1000000x64xf32, #tpu.memory_space<hbm>>) dst(%dma_wait3A_446 : memref<128x64xf32, #tpu.memory_space<vmem>>)
      %mul3A_453 = arith.constant 256 : i32
      %mul3A_454 = arith.muli %add3A_422, %mul3A_453 : i32
      %add3A_455 = arith.addi %mul3A_2, %mul3A_454 : i32
      %dma_start3A_456 = arith.constant 1 : i32
      %dma_start3A_457 = arith.constant 0 : i32
      %dma_start3A_458 = arith.constant 0 : i32
      %dma_start3A_459 = tpu.memref_slice %arg6[%dma_start3A_456, %dma_start3A_457, %dma_start3A_458] : memref<4x256x64xf32, #tpu.memory_space<vmem>> -> memref<1x256x64xf32, #tpu.memory_space<vmem>>
      %dma_start3A_460 = tpu.memref_squeeze %dma_start3A_459 : memref<1x256x64xf32, #tpu.memory_space<vmem>> -> memref<256x64xf32, #tpu.memory_space<vmem>>
      %dma_start3A_461 = arith.constant 0 : i32
      %dma_start3A_462 = tpu.memref_slice %arg4[%add3A_455, %dma_start3A_461] : memref<819200x64xf32, #tpu.memory_space<hbm>> -> memref<256x64xf32, #tpu.memory_space<hbm>>
      %dma_start3A_463 = arith.constant 0 : i32
      %dma_start3A_464 = tpu.memref_slice %arg4[%add3A_455, %dma_start3A_463] : memref<819200x64xf32, #tpu.memory_space<hbm>> -> memref<256x64xf32, #tpu.memory_space<hbm>>
      %dma_start3A_465 = arith.constant 0 : i32
      %dma_start3A_466 = arith.constant 0 : i32
      %dma_start3A_467 = tpu.memref_slice %arg6[%dma_start3A_456, %dma_start3A_465, %dma_start3A_466] : memref<4x256x64xf32, #tpu.memory_space<vmem>> -> memref<1x256x64xf32, #tpu.memory_space<vmem>>
      %dma_start3A_468 = tpu.memref_squeeze %dma_start3A_467 : memref<1x256x64xf32, #tpu.memory_space<vmem>> -> memref<256x64xf32, #tpu.memory_space<vmem>>
      tpu.enqueue_dma source(%dma_start3A_468 : memref<256x64xf32, #tpu.memory_space<vmem>>) target(%dma_start3A_464 : memref<256x64xf32, #tpu.memory_space<hbm>>) target_semaphore(%arg12 : memref<!tpu.dma_semaphore, #tpu.memory_space<semaphore_mem>>)
      %mul3A_469 = arith.constant 256 : i32
      %mul3A_470 = arith.muli %add3A_422, %mul3A_469 : i32
      %add3A_471 = arith.addi %mul3A_2, %mul3A_470 : i32
      %dma_wait3A_472 = arith.constant 1 : i32
      %dma_wait3A_473 = arith.constant 0 : i32
      %dma_wait3A_474 = arith.constant 0 : i32
      %dma_wait3A_475 = tpu.memref_slice %arg6[%dma_wait3A_472, %dma_wait3A_473, %dma_wait3A_474] : memref<4x256x64xf32, #tpu.memory_space<vmem>> -> memref<1x256x64xf32, #tpu.memory_space<vmem>>
      %dma_wait3A_476 = tpu.memref_squeeze %dma_wait3A_475 : memref<1x256x64xf32, #tpu.memory_space<vmem>> -> memref<256x64xf32, #tpu.memory_space<vmem>>
      %dma_wait3A_477 = arith.constant 0 : i32
      %dma_wait3A_478 = tpu.memref_slice %arg4[%add3A_471, %dma_wait3A_477] : memref<819200x64xf32, #tpu.memory_space<hbm>> -> memref<256x64xf32, #tpu.memory_space<hbm>>
      %dma_wait3A_479 = arith.constant 0 : i32
      %dma_wait3A_480 = tpu.memref_slice %arg4[%add3A_471, %dma_wait3A_479] : memref<819200x64xf32, #tpu.memory_space<hbm>> -> memref<256x64xf32, #tpu.memory_space<hbm>>
      %dma_wait3A_481 = arith.constant 0 : i32
      %dma_wait3A_482 = arith.constant 0 : i32
      %dma_wait3A_483 = tpu.memref_slice %arg6[%dma_wait3A_472, %dma_wait3A_481, %dma_wait3A_482] : memref<4x256x64xf32, #tpu.memory_space<vmem>> -> memref<1x256x64xf32, #tpu.memory_space<vmem>>
      %dma_wait3A_484 = tpu.memref_squeeze %dma_wait3A_483 : memref<1x256x64xf32, #tpu.memory_space<vmem>> -> memref<256x64xf32, #tpu.memory_space<vmem>>
      tpu.wait_dma2 semaphore(%arg12 : memref<!tpu.dma_semaphore, #tpu.memory_space<semaphore_mem>>) src(%dma_wait3A_484 : memref<256x64xf32, #tpu.memory_space<vmem>>) dst(%dma_wait3A_480 : memref<256x64xf32, #tpu.memory_space<hbm>>)
      %add3A_485 = arith.constant 4 : i32
      %add3A_486 = arith.addi %add3A_422, %add3A_485 : i32
      %mul3A_487 = arith.constant 2 : i32
      %mul3A_488 = arith.muli %add3A_486, %mul3A_487 : i32
      %add3A_489 = arith.constant 0 : i32
      %add3A_490 = arith.addi %mul3A_488, %add3A_489 : i32
      %dma_start3A_491 = arith.constant 1 : i32
      %dma_start3A_492 = arith.constant 0 : i32
      %dma_start3A_493 = arith.constant 0 : i32
      %dma_start3A_494 = tpu.memref_slice %arg6[%dma_start3A_491, %dma_start3A_492, %dma_start3A_493] : memref<4x256x64xf32, #tpu.memory_space<vmem>> -> memref<1x128x64xf32, #tpu.memory_space<vmem>>
      %dma_start3A_495 = tpu.memref_squeeze %dma_start3A_494 : memref<1x128x64xf32, #tpu.memory_space<vmem>> -> memref<128x64xf32, #tpu.memory_space<vmem>>
      %dma_start3A_496 = arith.constant 0 : i32
      %dma_start3A_497 = tpu.memref_slice %arg5[%add3A_490, %dma_start3A_496] : memref<200x128xi32, #tpu.memory_space<vmem>> -> memref<1x128xi32, #tpu.memory_space<vmem>>
      %dma_start3A_498 = tpu.memref_squeeze %dma_start3A_497 : memref<1x128xi32, #tpu.memory_space<vmem>> -> memref<128xi32, #tpu.memory_space<vmem>>
      %dma_start3A_499 = arith.constant 0 : i32
      %dma_start3A_500 = arith.constant 0 : i32
      %dma_start3A_501 = tpu.memref_slice %arg3[%dma_start3A_499, %dma_start3A_500] : memref<1000000x64xf32, #tpu.memory_space<hbm>> -> memref<1000000x64xf32, #tpu.memory_space<hbm>>
      tpu.enqueue_indirect_dma source(%dma_start3A_501 : memref<1000000x64xf32, #tpu.memory_space<hbm>>) target(%dma_start3A_495 : memref<128x64xf32, #tpu.memory_space<vmem>>) offsets(%dma_start3A_498 : memref<128xi32, #tpu.memory_space<vmem>>) semaphore(%arg8 : memref<!tpu.dma_semaphore, #tpu.memory_space<semaphore_mem>>)
      %mul3A_502 = arith.constant 2 : i32
      %mul3A_503 = arith.muli %add3A_486, %mul3A_502 : i32
      %add3A_504 = arith.constant 1 : i32
      %add3A_505 = arith.addi %mul3A_503, %add3A_504 : i32
      %dma_start3A_506 = arith.constant 1 : i32
      %dma_start3A_507 = arith.constant 128 : i32
      %dma_start3A_508 = arith.constant 0 : i32
      %dma_start3A_509 = tpu.memref_slice %arg6[%dma_start3A_506, %dma_start3A_507, %dma_start3A_508] : memref<4x256x64xf32, #tpu.memory_space<vmem>> -> memref<1x128x64xf32, #tpu.memory_space<vmem>>
      %dma_start3A_510 = tpu.memref_squeeze %dma_start3A_509 : memref<1x128x64xf32, #tpu.memory_space<vmem>> -> memref<128x64xf32, #tpu.memory_space<vmem>>
      %dma_start3A_511 = arith.constant 0 : i32
      %dma_start3A_512 = tpu.memref_slice %arg5[%add3A_505, %dma_start3A_511] : memref<200x128xi32, #tpu.memory_space<vmem>> -> memref<1x128xi32, #tpu.memory_space<vmem>>
      %dma_start3A_513 = tpu.memref_squeeze %dma_start3A_512 : memref<1x128xi32, #tpu.memory_space<vmem>> -> memref<128xi32, #tpu.memory_space<vmem>>
      %dma_start3A_514 = arith.constant 0 : i32
      %dma_start3A_515 = arith.constant 0 : i32
      %dma_start3A_516 = tpu.memref_slice %arg3[%dma_start3A_514, %dma_start3A_515] : memref<1000000x64xf32, #tpu.memory_space<hbm>> -> memref<1000000x64xf32, #tpu.memory_space<hbm>>
      tpu.enqueue_indirect_dma source(%dma_start3A_516 : memref<1000000x64xf32, #tpu.memory_space<hbm>>) target(%dma_start3A_510 : memref<128x64xf32, #tpu.memory_space<vmem>>) offsets(%dma_start3A_513 : memref<128xi32, #tpu.memory_space<vmem>>) semaphore(%arg8 : memref<!tpu.dma_semaphore, #tpu.memory_space<semaphore_mem>>)
      %mul3A_517 = arith.constant 4 : i32
      %mul3A_518 = arith.muli %scan3A_320, %mul3A_517 : i32
      %add3A_519 = arith.constant 2 : i32
      %add3A_520 = arith.addi %mul3A_518, %add3A_519 : i32
      %mul3A_521 = arith.constant 2 : i32
      %mul3A_522 = arith.muli %add3A_520, %mul3A_521 : i32
      %add3A_523 = arith.constant 0 : i32
      %add3A_524 = arith.addi %mul3A_522, %add3A_523 : i32
      %dma_wait3A_525 = arith.constant 2 : i32
      %dma_wait3A_526 = arith.constant 0 : i32
      %dma_wait3A_527 = arith.constant 0 : i32
      %dma_wait3A_528 = tpu.memref_slice %arg6[%dma_wait3A_525, %dma_wait3A_526, %dma_wait3A_527] : memref<4x256x64xf32, #tpu.memory_space<vmem>> -> memref<1x128x64xf32, #tpu.memory_space<vmem>>
      %dma_wait3A_529 = tpu.memref_squeeze %dma_wait3A_528 : memref<1x128x64xf32, #tpu.memory_space<vmem>> -> memref<128x64xf32, #tpu.memory_space<vmem>>
      %dma_wait3A_530 = arith.constant 0 : i32
      %dma_wait3A_531 = tpu.memref_slice %arg5[%add3A_524, %dma_wait3A_530] : memref<200x128xi32, #tpu.memory_space<vmem>> -> memref<1x128xi32, #tpu.memory_space<vmem>>
      %dma_wait3A_532 = tpu.memref_squeeze %dma_wait3A_531 : memref<1x128xi32, #tpu.memory_space<vmem>> -> memref<128xi32, #tpu.memory_space<vmem>>
      %dma_wait3A_533 = arith.constant 0 : i32
      %dma_wait3A_534 = arith.constant 0 : i32
      %dma_wait3A_535 = tpu.memref_slice %arg3[%dma_wait3A_533, %dma_wait3A_534] : memref<1000000x64xf32, #tpu.memory_space<hbm>> -> memref<1000000x64xf32, #tpu.memory_space<hbm>>
      tpu.wait_indirect_dma semaphore(%arg9 : memref<!tpu.dma_semaphore, #tpu.memory_space<semaphore_mem>>) src(%dma_wait3A_535 : memref<1000000x64xf32, #tpu.memory_space<hbm>>) dst(%dma_wait3A_529 : memref<128x64xf32, #tpu.memory_space<vmem>>)
      %mul3A_536 = arith.constant 2 : i32
      %mul3A_537 = arith.muli %add3A_520, %mul3A_536 : i32
      %add3A_538 = arith.constant 1 : i32
      %add3A_539 = arith.addi %mul3A_537, %add3A_538 : i32
      %dma_wait3A_540 = arith.constant 2 : i32
      %dma_wait3A_541 = arith.constant 128 : i32
      %dma_wait3A_542 = arith.constant 0 : i32
      %dma_wait3A_543 = tpu.memref_slice %arg6[%dma_wait3A_540, %dma_wait3A_541, %dma_wait3A_542] : memref<4x256x64xf32, #tpu.memory_space<vmem>> -> memref<1x128x64xf32, #tpu.memory_space<vmem>>
      %dma_wait3A_544 = tpu.memref_squeeze %dma_wait3A_543 : memref<1x128x64xf32, #tpu.memory_space<vmem>> -> memref<128x64xf32, #tpu.memory_space<vmem>>
      %dma_wait3A_545 = arith.constant 0 : i32
      %dma_wait3A_546 = tpu.memref_slice %arg5[%add3A_539, %dma_wait3A_545] : memref<200x128xi32, #tpu.memory_space<vmem>> -> memref<1x128xi32, #tpu.memory_space<vmem>>
      %dma_wait3A_547 = tpu.memref_squeeze %dma_wait3A_546 : memref<1x128xi32, #tpu.memory_space<vmem>> -> memref<128xi32, #tpu.memory_space<vmem>>
      %dma_wait3A_548 = arith.constant 0 : i32
      %dma_wait3A_549 = arith.constant 0 : i32
      %dma_wait3A_550 = tpu.memref_slice %arg3[%dma_wait3A_548, %dma_wait3A_549] : memref<1000000x64xf32, #tpu.memory_space<hbm>> -> memref<1000000x64xf32, #tpu.memory_space<hbm>>
      tpu.wait_indirect_dma semaphore(%arg9 : memref<!tpu.dma_semaphore, #tpu.memory_space<semaphore_mem>>) src(%dma_wait3A_550 : memref<1000000x64xf32, #tpu.memory_space<hbm>>) dst(%dma_wait3A_544 : memref<128x64xf32, #tpu.memory_space<vmem>>)
      %mul3A_551 = arith.constant 256 : i32
      %mul3A_552 = arith.muli %add3A_520, %mul3A_551 : i32
      %add3A_553 = arith.addi %mul3A_2, %mul3A_552 : i32
      %dma_start3A_554 = arith.constant 2 : i32
      %dma_start3A_555 = arith.constant 0 : i32
      %dma_start3A_556 = arith.constant 0 : i32
      %dma_start3A_557 = tpu.memref_slice %arg6[%dma_start3A_554, %dma_start3A_555, %dma_start3A_556] : memref<4x256x64xf32, #tpu.memory_space<vmem>> -> memref<1x256x64xf32, #tpu.memory_space<vmem>>
      %dma_start3A_558 = tpu.memref_squeeze %dma_start3A_557 : memref<1x256x64xf32, #tpu.memory_space<vmem>> -> memref<256x64xf32, #tpu.memory_space<vmem>>
      %dma_start3A_559 = arith.constant 0 : i32
      %dma_start3A_560 = tpu.memref_slice %arg4[%add3A_553, %dma_start3A_559] : memref<819200x64xf32, #tpu.memory_space<hbm>> -> memref<256x64xf32, #tpu.memory_space<hbm>>
      %dma_start3A_561 = arith.constant 0 : i32
      %dma_start3A_562 = tpu.memref_slice %arg4[%add3A_553, %dma_start3A_561] : memref<819200x64xf32, #tpu.memory_space<hbm>> -> memref<256x64xf32, #tpu.memory_space<hbm>>
      %dma_start3A_563 = arith.constant 0 : i32
      %dma_start3A_564 = arith.constant 0 : i32
      %dma_start3A_565 = tpu.memref_slice %arg6[%dma_start3A_554, %dma_start3A_563, %dma_start3A_564] : memref<4x256x64xf32, #tpu.memory_space<vmem>> -> memref<1x256x64xf32, #tpu.memory_space<vmem>>
      %dma_start3A_566 = tpu.memref_squeeze %dma_start3A_565 : memref<1x256x64xf32, #tpu.memory_space<vmem>> -> memref<256x64xf32, #tpu.memory_space<vmem>>
      tpu.enqueue_dma source(%dma_start3A_566 : memref<256x64xf32, #tpu.memory_space<vmem>>) target(%dma_start3A_562 : memref<256x64xf32, #tpu.memory_space<hbm>>) target_semaphore(%arg13 : memref<!tpu.dma_semaphore, #tpu.memory_space<semaphore_mem>>)
      %mul3A_567 = arith.constant 256 : i32
      %mul3A_568 = arith.muli %add3A_520, %mul3A_567 : i32
      %add3A_569 = arith.addi %mul3A_2, %mul3A_568 : i32
      %dma_wait3A_570 = arith.constant 2 : i32
      %dma_wait3A_571 = arith.constant 0 : i32
      %dma_wait3A_572 = arith.constant 0 : i32
      %dma_wait3A_573 = tpu.memref_slice %arg6[%dma_wait3A_570, %dma_wait3A_571, %dma_wait3A_572] : memref<4x256x64xf32, #tpu.memory_space<vmem>> -> memref<1x256x64xf32, #tpu.memory_space<vmem>>
      %dma_wait3A_574 = tpu.memref_squeeze %dma_wait3A_573 : memref<1x256x64xf32, #tpu.memory_space<vmem>> -> memref<256x64xf32, #tpu.memory_space<vmem>>
      %dma_wait3A_575 = arith.constant 0 : i32
      %dma_wait3A_576 = tpu.memref_slice %arg4[%add3A_569, %dma_wait3A_575] : memref<819200x64xf32, #tpu.memory_space<hbm>> -> memref<256x64xf32, #tpu.memory_space<hbm>>
      %dma_wait3A_577 = arith.constant 0 : i32
      %dma_wait3A_578 = tpu.memref_slice %arg4[%add3A_569, %dma_wait3A_577] : memref<819200x64xf32, #tpu.memory_space<hbm>> -> memref<256x64xf32, #tpu.memory_space<hbm>>
      %dma_wait3A_579 = arith.constant 0 : i32
      %dma_wait3A_580 = arith.constant 0 : i32
      %dma_wait3A_581 = tpu.memref_slice %arg6[%dma_wait3A_570, %dma_wait3A_579, %dma_wait3A_580] : memref<4x256x64xf32, #tpu.memory_space<vmem>> -> memref<1x256x64xf32, #tpu.memory_space<vmem>>
      %dma_wait3A_582 = tpu.memref_squeeze %dma_wait3A_581 : memref<1x256x64xf32, #tpu.memory_space<vmem>> -> memref<256x64xf32, #tpu.memory_space<vmem>>
      tpu.wait_dma2 semaphore(%arg13 : memref<!tpu.dma_semaphore, #tpu.memory_space<semaphore_mem>>) src(%dma_wait3A_582 : memref<256x64xf32, #tpu.memory_space<vmem>>) dst(%dma_wait3A_578 : memref<256x64xf32, #tpu.memory_space<hbm>>)
      %add3A_583 = arith.constant 4 : i32
      %add3A_584 = arith.addi %add3A_520, %add3A_583 : i32
      %mul3A_585 = arith.constant 2 : i32
      %mul3A_586 = arith.muli %add3A_584, %mul3A_585 : i32
      %add3A_587 = arith.constant 0 : i32
      %add3A_588 = arith.addi %mul3A_586, %add3A_587 : i32
      %dma_start3A_589 = arith.constant 2 : i32
      %dma_start3A_590 = arith.constant 0 : i32
      %dma_start3A_591 = arith.constant 0 : i32
      %dma_start3A_592 = tpu.memref_slice %arg6[%dma_start3A_589, %dma_start3A_590, %dma_start3A_591] : memref<4x256x64xf32, #tpu.memory_space<vmem>> -> memref<1x128x64xf32, #tpu.memory_space<vmem>>
      %dma_start3A_593 = tpu.memref_squeeze %dma_start3A_592 : memref<1x128x64xf32, #tpu.memory_space<vmem>> -> memref<128x64xf32, #tpu.memory_space<vmem>>
      %dma_start3A_594 = arith.constant 0 : i32
      %dma_start3A_595 = tpu.memref_slice %arg5[%add3A_588, %dma_start3A_594] : memref<200x128xi32, #tpu.memory_space<vmem>> -> memref<1x128xi32, #tpu.memory_space<vmem>>
      %dma_start3A_596 = tpu.memref_squeeze %dma_start3A_595 : memref<1x128xi32, #tpu.memory_space<vmem>> -> memref<128xi32, #tpu.memory_space<vmem>>
      %dma_start3A_597 = arith.constant 0 : i32
      %dma_start3A_598 = arith.constant 0 : i32
      %dma_start3A_599 = tpu.memref_slice %arg3[%dma_start3A_597, %dma_start3A_598] : memref<1000000x64xf32, #tpu.memory_space<hbm>> -> memref<1000000x64xf32, #tpu.memory_space<hbm>>
      tpu.enqueue_indirect_dma source(%dma_start3A_599 : memref<1000000x64xf32, #tpu.memory_space<hbm>>) target(%dma_start3A_593 : memref<128x64xf32, #tpu.memory_space<vmem>>) offsets(%dma_start3A_596 : memref<128xi32, #tpu.memory_space<vmem>>) semaphore(%arg9 : memref<!tpu.dma_semaphore, #tpu.memory_space<semaphore_mem>>)
      %mul3A_600 = arith.constant 2 : i32
      %mul3A_601 = arith.muli %add3A_584, %mul3A_600 : i32
      %add3A_602 = arith.constant 1 : i32
      %add3A_603 = arith.addi %mul3A_601, %add3A_602 : i32
      %dma_start3A_604 = arith.constant 2 : i32
      %dma_start3A_605 = arith.constant 128 : i32
      %dma_start3A_606 = arith.constant 0 : i32
      %dma_start3A_607 = tpu.memref_slice %arg6[%dma_start3A_604, %dma_start3A_605, %dma_start3A_606] : memref<4x256x64xf32, #tpu.memory_space<vmem>> -> memref<1x128x64xf32, #tpu.memory_space<vmem>>
      %dma_start3A_608 = tpu.memref_squeeze %dma_start3A_607 : memref<1x128x64xf32, #tpu.memory_space<vmem>> -> memref<128x64xf32, #tpu.memory_space<vmem>>
      %dma_start3A_609 = arith.constant 0 : i32
      %dma_start3A_610 = tpu.memref_slice %arg5[%add3A_603, %dma_start3A_609] : memref<200x128xi32, #tpu.memory_space<vmem>> -> memref<1x128xi32, #tpu.memory_space<vmem>>
      %dma_start3A_611 = tpu.memref_squeeze %dma_start3A_610 : memref<1x128xi32, #tpu.memory_space<vmem>> -> memref<128xi32, #tpu.memory_space<vmem>>
      %dma_start3A_612 = arith.constant 0 : i32
      %dma_start3A_613 = arith.constant 0 : i32
      %dma_start3A_614 = tpu.memref_slice %arg3[%dma_start3A_612, %dma_start3A_613] : memref<1000000x64xf32, #tpu.memory_space<hbm>> -> memref<1000000x64xf32, #tpu.memory_space<hbm>>
      tpu.enqueue_indirect_dma source(%dma_start3A_614 : memref<1000000x64xf32, #tpu.memory_space<hbm>>) target(%dma_start3A_608 : memref<128x64xf32, #tpu.memory_space<vmem>>) offsets(%dma_start3A_611 : memref<128xi32, #tpu.memory_space<vmem>>) semaphore(%arg9 : memref<!tpu.dma_semaphore, #tpu.memory_space<semaphore_mem>>)
      %mul3A_615 = arith.constant 4 : i32
      %mul3A_616 = arith.muli %scan3A_320, %mul3A_615 : i32
      %add3A_617 = arith.constant 3 : i32
      %add3A_618 = arith.addi %mul3A_616, %add3A_617 : i32
      %mul3A_619 = arith.constant 2 : i32
      %mul3A_620 = arith.muli %add3A_618, %mul3A_619 : i32
      %add3A_621 = arith.constant 0 : i32
      %add3A_622 = arith.addi %mul3A_620, %add3A_621 : i32
      %dma_wait3A_623 = arith.constant 3 : i32
      %dma_wait3A_624 = arith.constant 0 : i32
      %dma_wait3A_625 = arith.constant 0 : i32
      %dma_wait3A_626 = tpu.memref_slice %arg6[%dma_wait3A_623, %dma_wait3A_624, %dma_wait3A_625] : memref<4x256x64xf32, #tpu.memory_space<vmem>> -> memref<1x128x64xf32, #tpu.memory_space<vmem>>
      %dma_wait3A_627 = tpu.memref_squeeze %dma_wait3A_626 : memref<1x128x64xf32, #tpu.memory_space<vmem>> -> memref<128x64xf32, #tpu.memory_space<vmem>>
      %dma_wait3A_628 = arith.constant 0 : i32
      %dma_wait3A_629 = tpu.memref_slice %arg5[%add3A_622, %dma_wait3A_628] : memref<200x128xi32, #tpu.memory_space<vmem>> -> memref<1x128xi32, #tpu.memory_space<vmem>>
      %dma_wait3A_630 = tpu.memref_squeeze %dma_wait3A_629 : memref<1x128xi32, #tpu.memory_space<vmem>> -> memref<128xi32, #tpu.memory_space<vmem>>
      %dma_wait3A_631 = arith.constant 0 : i32
      %dma_wait3A_632 = arith.constant 0 : i32
      %dma_wait3A_633 = tpu.memref_slice %arg3[%dma_wait3A_631, %dma_wait3A_632] : memref<1000000x64xf32, #tpu.memory_space<hbm>> -> memref<1000000x64xf32, #tpu.memory_space<hbm>>
      tpu.wait_indirect_dma semaphore(%arg10 : memref<!tpu.dma_semaphore, #tpu.memory_space<semaphore_mem>>) src(%dma_wait3A_633 : memref<1000000x64xf32, #tpu.memory_space<hbm>>) dst(%dma_wait3A_627 : memref<128x64xf32, #tpu.memory_space<vmem>>)
      %mul3A_634 = arith.constant 2 : i32
      %mul3A_635 = arith.muli %add3A_618, %mul3A_634 : i32
      %add3A_636 = arith.constant 1 : i32
      %add3A_637 = arith.addi %mul3A_635, %add3A_636 : i32
      %dma_wait3A_638 = arith.constant 3 : i32
      %dma_wait3A_639 = arith.constant 128 : i32
      %dma_wait3A_640 = arith.constant 0 : i32
      %dma_wait3A_641 = tpu.memref_slice %arg6[%dma_wait3A_638, %dma_wait3A_639, %dma_wait3A_640] : memref<4x256x64xf32, #tpu.memory_space<vmem>> -> memref<1x128x64xf32, #tpu.memory_space<vmem>>
      %dma_wait3A_642 = tpu.memref_squeeze %dma_wait3A_641 : memref<1x128x64xf32, #tpu.memory_space<vmem>> -> memref<128x64xf32, #tpu.memory_space<vmem>>
      %dma_wait3A_643 = arith.constant 0 : i32
      %dma_wait3A_644 = tpu.memref_slice %arg5[%add3A_637, %dma_wait3A_643] : memref<200x128xi32, #tpu.memory_space<vmem>> -> memref<1x128xi32, #tpu.memory_space<vmem>>
      %dma_wait3A_645 = tpu.memref_squeeze %dma_wait3A_644 : memref<1x128xi32, #tpu.memory_space<vmem>> -> memref<128xi32, #tpu.memory_space<vmem>>
      %dma_wait3A_646 = arith.constant 0 : i32
      %dma_wait3A_647 = arith.constant 0 : i32
      %dma_wait3A_648 = tpu.memref_slice %arg3[%dma_wait3A_646, %dma_wait3A_647] : memref<1000000x64xf32, #tpu.memory_space<hbm>> -> memref<1000000x64xf32, #tpu.memory_space<hbm>>
      tpu.wait_indirect_dma semaphore(%arg10 : memref<!tpu.dma_semaphore, #tpu.memory_space<semaphore_mem>>) src(%dma_wait3A_648 : memref<1000000x64xf32, #tpu.memory_space<hbm>>) dst(%dma_wait3A_642 : memref<128x64xf32, #tpu.memory_space<vmem>>)
      %mul3A_649 = arith.constant 256 : i32
      %mul3A_650 = arith.muli %add3A_618, %mul3A_649 : i32
      %add3A_651 = arith.addi %mul3A_2, %mul3A_650 : i32
      %dma_start3A_652 = arith.constant 3 : i32
      %dma_start3A_653 = arith.constant 0 : i32
      %dma_start3A_654 = arith.constant 0 : i32
      %dma_start3A_655 = tpu.memref_slice %arg6[%dma_start3A_652, %dma_start3A_653, %dma_start3A_654] : memref<4x256x64xf32, #tpu.memory_space<vmem>> -> memref<1x256x64xf32, #tpu.memory_space<vmem>>
      %dma_start3A_656 = tpu.memref_squeeze %dma_start3A_655 : memref<1x256x64xf32, #tpu.memory_space<vmem>> -> memref<256x64xf32, #tpu.memory_space<vmem>>
      %dma_start3A_657 = arith.constant 0 : i32
      %dma_start3A_658 = tpu.memref_slice %arg4[%add3A_651, %dma_start3A_657] : memref<819200x64xf32, #tpu.memory_space<hbm>> -> memref<256x64xf32, #tpu.memory_space<hbm>>
      %dma_start3A_659 = arith.constant 0 : i32
      %dma_start3A_660 = tpu.memref_slice %arg4[%add3A_651, %dma_start3A_659] : memref<819200x64xf32, #tpu.memory_space<hbm>> -> memref<256x64xf32, #tpu.memory_space<hbm>>
      %dma_start3A_661 = arith.constant 0 : i32
      %dma_start3A_662 = arith.constant 0 : i32
      %dma_start3A_663 = tpu.memref_slice %arg6[%dma_start3A_652, %dma_start3A_661, %dma_start3A_662] : memref<4x256x64xf32, #tpu.memory_space<vmem>> -> memref<1x256x64xf32, #tpu.memory_space<vmem>>
      %dma_start3A_664 = tpu.memref_squeeze %dma_start3A_663 : memref<1x256x64xf32, #tpu.memory_space<vmem>> -> memref<256x64xf32, #tpu.memory_space<vmem>>
      tpu.enqueue_dma source(%dma_start3A_664 : memref<256x64xf32, #tpu.memory_space<vmem>>) target(%dma_start3A_660 : memref<256x64xf32, #tpu.memory_space<hbm>>) target_semaphore(%arg14 : memref<!tpu.dma_semaphore, #tpu.memory_space<semaphore_mem>>)
      %mul3A_665 = arith.constant 256 : i32
      %mul3A_666 = arith.muli %add3A_618, %mul3A_665 : i32
      %add3A_667 = arith.addi %mul3A_2, %mul3A_666 : i32
      %dma_wait3A_668 = arith.constant 3 : i32
      %dma_wait3A_669 = arith.constant 0 : i32
      %dma_wait3A_670 = arith.constant 0 : i32
      %dma_wait3A_671 = tpu.memref_slice %arg6[%dma_wait3A_668, %dma_wait3A_669, %dma_wait3A_670] : memref<4x256x64xf32, #tpu.memory_space<vmem>> -> memref<1x256x64xf32, #tpu.memory_space<vmem>>
      %dma_wait3A_672 = tpu.memref_squeeze %dma_wait3A_671 : memref<1x256x64xf32, #tpu.memory_space<vmem>> -> memref<256x64xf32, #tpu.memory_space<vmem>>
      %dma_wait3A_673 = arith.constant 0 : i32
      %dma_wait3A_674 = tpu.memref_slice %arg4[%add3A_667, %dma_wait3A_673] : memref<819200x64xf32, #tpu.memory_space<hbm>> -> memref<256x64xf32, #tpu.memory_space<hbm>>
      %dma_wait3A_675 = arith.constant 0 : i32
      %dma_wait3A_676 = tpu.memref_slice %arg4[%add3A_667, %dma_wait3A_675] : memref<819200x64xf32, #tpu.memory_space<hbm>> -> memref<256x64xf32, #tpu.memory_space<hbm>>
      %dma_wait3A_677 = arith.constant 0 : i32
      %dma_wait3A_678 = arith.constant 0 : i32
      %dma_wait3A_679 = tpu.memref_slice %arg6[%dma_wait3A_668, %dma_wait3A_677, %dma_wait3A_678] : memref<4x256x64xf32, #tpu.memory_space<vmem>> -> memref<1x256x64xf32, #tpu.memory_space<vmem>>
      %dma_wait3A_680 = tpu.memref_squeeze %dma_wait3A_679 : memref<1x256x64xf32, #tpu.memory_space<vmem>> -> memref<256x64xf32, #tpu.memory_space<vmem>>
      tpu.wait_dma2 semaphore(%arg14 : memref<!tpu.dma_semaphore, #tpu.memory_space<semaphore_mem>>) src(%dma_wait3A_680 : memref<256x64xf32, #tpu.memory_space<vmem>>) dst(%dma_wait3A_676 : memref<256x64xf32, #tpu.memory_space<hbm>>)
      %add3A_681 = arith.constant 4 : i32
      %add3A_682 = arith.addi %add3A_618, %add3A_681 : i32
      %mul3A_683 = arith.constant 2 : i32
      %mul3A_684 = arith.muli %add3A_682, %mul3A_683 : i32
      %add3A_685 = arith.constant 0 : i32
      %add3A_686 = arith.addi %mul3A_684, %add3A_685 : i32
      %dma_start3A_687 = arith.constant 3 : i32
      %dma_start3A_688 = arith.constant 0 : i32
      %dma_start3A_689 = arith.constant 0 : i32
      %dma_start3A_690 = tpu.memref_slice %arg6[%dma_start3A_687, %dma_start3A_688, %dma_start3A_689] : memref<4x256x64xf32, #tpu.memory_space<vmem>> -> memref<1x128x64xf32, #tpu.memory_space<vmem>>
      %dma_start3A_691 = tpu.memref_squeeze %dma_start3A_690 : memref<1x128x64xf32, #tpu.memory_space<vmem>> -> memref<128x64xf32, #tpu.memory_space<vmem>>
      %dma_start3A_692 = arith.constant 0 : i32
      %dma_start3A_693 = tpu.memref_slice %arg5[%add3A_686, %dma_start3A_692] : memref<200x128xi32, #tpu.memory_space<vmem>> -> memref<1x128xi32, #tpu.memory_space<vmem>>
      %dma_start3A_694 = tpu.memref_squeeze %dma_start3A_693 : memref<1x128xi32, #tpu.memory_space<vmem>> -> memref<128xi32, #tpu.memory_space<vmem>>
      %dma_start3A_695 = arith.constant 0 : i32
      %dma_start3A_696 = arith.constant 0 : i32
      %dma_start3A_697 = tpu.memref_slice %arg3[%dma_start3A_695, %dma_start3A_696] : memref<1000000x64xf32, #tpu.memory_space<hbm>> -> memref<1000000x64xf32, #tpu.memory_space<hbm>>
      tpu.enqueue_indirect_dma source(%dma_start3A_697 : memref<1000000x64xf32, #tpu.memory_space<hbm>>) target(%dma_start3A_691 : memref<128x64xf32, #tpu.memory_space<vmem>>) offsets(%dma_start3A_694 : memref<128xi32, #tpu.memory_space<vmem>>) semaphore(%arg10 : memref<!tpu.dma_semaphore, #tpu.memory_space<semaphore_mem>>)
      %mul3A_698 = arith.constant 2 : i32
      %mul3A_699 = arith.muli %add3A_682, %mul3A_698 : i32
      %add3A_700 = arith.constant 1 : i32
      %add3A_701 = arith.addi %mul3A_699, %add3A_700 : i32
      %dma_start3A_702 = arith.constant 3 : i32
      %dma_start3A_703 = arith.constant 128 : i32
      %dma_start3A_704 = arith.constant 0 : i32
      %dma_start3A_705 = tpu.memref_slice %arg6[%dma_start3A_702, %dma_start3A_703, %dma_start3A_704] : memref<4x256x64xf32, #tpu.memory_space<vmem>> -> memref<1x128x64xf32, #tpu.memory_space<vmem>>
      %dma_start3A_706 = tpu.memref_squeeze %dma_start3A_705 : memref<1x128x64xf32, #tpu.memory_space<vmem>> -> memref<128x64xf32, #tpu.memory_space<vmem>>
      %dma_start3A_707 = arith.constant 0 : i32
      %dma_start3A_708 = tpu.memref_slice %arg5[%add3A_701, %dma_start3A_707] : memref<200x128xi32, #tpu.memory_space<vmem>> -> memref<1x128xi32, #tpu.memory_space<vmem>>
      %dma_start3A_709 = tpu.memref_squeeze %dma_start3A_708 : memref<1x128xi32, #tpu.memory_space<vmem>> -> memref<128xi32, #tpu.memory_space<vmem>>
      %dma_start3A_710 = arith.constant 0 : i32
      %dma_start3A_711 = arith.constant 0 : i32
      %dma_start3A_712 = tpu.memref_slice %arg3[%dma_start3A_710, %dma_start3A_711] : memref<1000000x64xf32, #tpu.memory_space<hbm>> -> memref<1000000x64xf32, #tpu.memory_space<hbm>>
      tpu.enqueue_indirect_dma source(%dma_start3A_712 : memref<1000000x64xf32, #tpu.memory_space<hbm>>) target(%dma_start3A_706 : memref<128x64xf32, #tpu.memory_space<vmem>>) offsets(%dma_start3A_709 : memref<128xi32, #tpu.memory_space<vmem>>) semaphore(%arg10 : memref<!tpu.dma_semaphore, #tpu.memory_space<semaphore_mem>>)
    }
    %scan3A_104 = arith.constant 24 : i32
    %dma_wait3A = arith.constant 192 : i32
    %dma_wait3A_105 = arith.constant 0 : i32
    %dma_wait3A_106 = arith.constant 0 : i32
    %dma_wait3A_107 = arith.constant 0 : i32
    %dma_wait3A_108 = tpu.memref_slice %arg6[%dma_wait3A_105, %dma_wait3A_106, %dma_wait3A_107] : memref<4x256x64xf32, #tpu.memory_space<vmem>> -> memref<1x128x64xf32, #tpu.memory_space<vmem>>
    %dma_wait3A_109 = tpu.memref_squeeze %dma_wait3A_108 : memref<1x128x64xf32, #tpu.memory_space<vmem>> -> memref<128x64xf32, #tpu.memory_space<vmem>>
    %dma_wait3A_110 = arith.constant 0 : i32
    %dma_wait3A_111 = tpu.memref_slice %arg5[%dma_wait3A, %dma_wait3A_110] : memref<200x128xi32, #tpu.memory_space<vmem>> -> memref<1x128xi32, #tpu.memory_space<vmem>>
    %dma_wait3A_112 = tpu.memref_squeeze %dma_wait3A_111 : memref<1x128xi32, #tpu.memory_space<vmem>> -> memref<128xi32, #tpu.memory_space<vmem>>
    %dma_wait3A_113 = arith.constant 0 : i32
    %dma_wait3A_114 = arith.constant 0 : i32
    %dma_wait3A_115 = tpu.memref_slice %arg3[%dma_wait3A_113, %dma_wait3A_114] : memref<1000000x64xf32, #tpu.memory_space<hbm>> -> memref<1000000x64xf32, #tpu.memory_space<hbm>>
    tpu.wait_indirect_dma semaphore(%arg7 : memref<!tpu.dma_semaphore, #tpu.memory_space<semaphore_mem>>) src(%dma_wait3A_115 : memref<1000000x64xf32, #tpu.memory_space<hbm>>) dst(%dma_wait3A_109 : memref<128x64xf32, #tpu.memory_space<vmem>>)
    %dma_wait3A_116 = arith.constant 193 : i32
    %dma_wait3A_117 = arith.constant 0 : i32
    %dma_wait3A_118 = arith.constant 128 : i32
    %dma_wait3A_119 = arith.constant 0 : i32
    %dma_wait3A_120 = tpu.memref_slice %arg6[%dma_wait3A_117, %dma_wait3A_118, %dma_wait3A_119] : memref<4x256x64xf32, #tpu.memory_space<vmem>> -> memref<1x128x64xf32, #tpu.memory_space<vmem>>
    %dma_wait3A_121 = tpu.memref_squeeze %dma_wait3A_120 : memref<1x128x64xf32, #tpu.memory_space<vmem>> -> memref<128x64xf32, #tpu.memory_space<vmem>>
    %dma_wait3A_122 = arith.constant 0 : i32
    %dma_wait3A_123 = tpu.memref_slice %arg5[%dma_wait3A_116, %dma_wait3A_122] : memref<200x128xi32, #tpu.memory_space<vmem>> -> memref<1x128xi32, #tpu.memory_space<vmem>>
    %dma_wait3A_124 = tpu.memref_squeeze %dma_wait3A_123 : memref<1x128xi32, #tpu.memory_space<vmem>> -> memref<128xi32, #tpu.memory_space<vmem>>
    %dma_wait3A_125 = arith.constant 0 : i32
    %dma_wait3A_126 = arith.constant 0 : i32
    %dma_wait3A_127 = tpu.memref_slice %arg3[%dma_wait3A_125, %dma_wait3A_126] : memref<1000000x64xf32, #tpu.memory_space<hbm>> -> memref<1000000x64xf32, #tpu.memory_space<hbm>>
    tpu.wait_indirect_dma semaphore(%arg7 : memref<!tpu.dma_semaphore, #tpu.memory_space<semaphore_mem>>) src(%dma_wait3A_127 : memref<1000000x64xf32, #tpu.memory_space<hbm>>) dst(%dma_wait3A_121 : memref<128x64xf32, #tpu.memory_space<vmem>>)
    %add3A_128 = arith.constant 24576 : i32
    %add3A_129 = arith.addi %mul3A_2, %add3A_128 : i32
    %dma_start3A_130 = arith.constant 0 : i32
    %dma_start3A_131 = arith.constant 0 : i32
    %dma_start3A_132 = arith.constant 0 : i32
    %dma_start3A_133 = tpu.memref_slice %arg6[%dma_start3A_130, %dma_start3A_131, %dma_start3A_132] : memref<4x256x64xf32, #tpu.memory_space<vmem>> -> memref<1x256x64xf32, #tpu.memory_space<vmem>>
    %dma_start3A_134 = tpu.memref_squeeze %dma_start3A_133 : memref<1x256x64xf32, #tpu.memory_space<vmem>> -> memref<256x64xf32, #tpu.memory_space<vmem>>
    %dma_start3A_135 = arith.constant 0 : i32
    %dma_start3A_136 = tpu.memref_slice %arg4[%add3A_129, %dma_start3A_135] : memref<819200x64xf32, #tpu.memory_space<hbm>> -> memref<256x64xf32, #tpu.memory_space<hbm>>
    %dma_start3A_137 = arith.constant 0 : i32
    %dma_start3A_138 = tpu.memref_slice %arg4[%add3A_129, %dma_start3A_137] : memref<819200x64xf32, #tpu.memory_space<hbm>> -> memref<256x64xf32, #tpu.memory_space<hbm>>
    %dma_start3A_139 = arith.constant 0 : i32
    %dma_start3A_140 = arith.constant 0 : i32
    %dma_start3A_141 = tpu.memref_slice %arg6[%dma_start3A_130, %dma_start3A_139, %dma_start3A_140] : memref<4x256x64xf32, #tpu.memory_space<vmem>> -> memref<1x256x64xf32, #tpu.memory_space<vmem>>
    %dma_start3A_142 = tpu.memref_squeeze %dma_start3A_141 : memref<1x256x64xf32, #tpu.memory_space<vmem>> -> memref<256x64xf32, #tpu.memory_space<vmem>>
    tpu.enqueue_dma source(%dma_start3A_142 : memref<256x64xf32, #tpu.memory_space<vmem>>) target(%dma_start3A_138 : memref<256x64xf32, #tpu.memory_space<hbm>>) target_semaphore(%arg11 : memref<!tpu.dma_semaphore, #tpu.memory_space<semaphore_mem>>)
    %dma_wait3A_143 = arith.constant 194 : i32
    %dma_wait3A_144 = arith.constant 1 : i32
    %dma_wait3A_145 = arith.constant 0 : i32
    %dma_wait3A_146 = arith.constant 0 : i32
    %dma_wait3A_147 = tpu.memref_slice %arg6[%dma_wait3A_144, %dma_wait3A_145, %dma_wait3A_146] : memref<4x256x64xf32, #tpu.memory_space<vmem>> -> memref<1x128x64xf32, #tpu.memory_space<vmem>>
    %dma_wait3A_148 = tpu.memref_squeeze %dma_wait3A_147 : memref<1x128x64xf32, #tpu.memory_space<vmem>> -> memref<128x64xf32, #tpu.memory_space<vmem>>
    %dma_wait3A_149 = arith.constant 0 : i32
    %dma_wait3A_150 = tpu.memref_slice %arg5[%dma_wait3A_143, %dma_wait3A_149] : memref<200x128xi32, #tpu.memory_space<vmem>> -> memref<1x128xi32, #tpu.memory_space<vmem>>
    %dma_wait3A_151 = tpu.memref_squeeze %dma_wait3A_150 : memref<1x128xi32, #tpu.memory_space<vmem>> -> memref<128xi32, #tpu.memory_space<vmem>>
    %dma_wait3A_152 = arith.constant 0 : i32
    %dma_wait3A_153 = arith.constant 0 : i32
    %dma_wait3A_154 = tpu.memref_slice %arg3[%dma_wait3A_152, %dma_wait3A_153] : memref<1000000x64xf32, #tpu.memory_space<hbm>> -> memref<1000000x64xf32, #tpu.memory_space<hbm>>
    tpu.wait_indirect_dma semaphore(%arg8 : memref<!tpu.dma_semaphore, #tpu.memory_space<semaphore_mem>>) src(%dma_wait3A_154 : memref<1000000x64xf32, #tpu.memory_space<hbm>>) dst(%dma_wait3A_148 : memref<128x64xf32, #tpu.memory_space<vmem>>)
    %dma_wait3A_155 = arith.constant 195 : i32
    %dma_wait3A_156 = arith.constant 1 : i32
    %dma_wait3A_157 = arith.constant 128 : i32
    %dma_wait3A_158 = arith.constant 0 : i32
    %dma_wait3A_159 = tpu.memref_slice %arg6[%dma_wait3A_156, %dma_wait3A_157, %dma_wait3A_158] : memref<4x256x64xf32, #tpu.memory_space<vmem>> -> memref<1x128x64xf32, #tpu.memory_space<vmem>>
    %dma_wait3A_160 = tpu.memref_squeeze %dma_wait3A_159 : memref<1x128x64xf32, #tpu.memory_space<vmem>> -> memref<128x64xf32, #tpu.memory_space<vmem>>
    %dma_wait3A_161 = arith.constant 0 : i32
    %dma_wait3A_162 = tpu.memref_slice %arg5[%dma_wait3A_155, %dma_wait3A_161] : memref<200x128xi32, #tpu.memory_space<vmem>> -> memref<1x128xi32, #tpu.memory_space<vmem>>
    %dma_wait3A_163 = tpu.memref_squeeze %dma_wait3A_162 : memref<1x128xi32, #tpu.memory_space<vmem>> -> memref<128xi32, #tpu.memory_space<vmem>>
    %dma_wait3A_164 = arith.constant 0 : i32
    %dma_wait3A_165 = arith.constant 0 : i32
    %dma_wait3A_166 = tpu.memref_slice %arg3[%dma_wait3A_164, %dma_wait3A_165] : memref<1000000x64xf32, #tpu.memory_space<hbm>> -> memref<1000000x64xf32, #tpu.memory_space<hbm>>
    tpu.wait_indirect_dma semaphore(%arg8 : memref<!tpu.dma_semaphore, #tpu.memory_space<semaphore_mem>>) src(%dma_wait3A_166 : memref<1000000x64xf32, #tpu.memory_space<hbm>>) dst(%dma_wait3A_160 : memref<128x64xf32, #tpu.memory_space<vmem>>)
    %add3A_167 = arith.constant 24832 : i32
    %add3A_168 = arith.addi %mul3A_2, %add3A_167 : i32
    %dma_start3A_169 = arith.constant 1 : i32
    %dma_start3A_170 = arith.constant 0 : i32
    %dma_start3A_171 = arith.constant 0 : i32
    %dma_start3A_172 = tpu.memref_slice %arg6[%dma_start3A_169, %dma_start3A_170, %dma_start3A_171] : memref<4x256x64xf32, #tpu.memory_space<vmem>> -> memref<1x256x64xf32, #tpu.memory_space<vmem>>
    %dma_start3A_173 = tpu.memref_squeeze %dma_start3A_172 : memref<1x256x64xf32, #tpu.memory_space<vmem>> -> memref<256x64xf32, #tpu.memory_space<vmem>>
    %dma_start3A_174 = arith.constant 0 : i32
    %dma_start3A_175 = tpu.memref_slice %arg4[%add3A_168, %dma_start3A_174] : memref<819200x64xf32, #tpu.memory_space<hbm>> -> memref<256x64xf32, #tpu.memory_space<hbm>>
    %dma_start3A_176 = arith.constant 0 : i32
    %dma_start3A_177 = tpu.memref_slice %arg4[%add3A_168, %dma_start3A_176] : memref<819200x64xf32, #tpu.memory_space<hbm>> -> memref<256x64xf32, #tpu.memory_space<hbm>>
    %dma_start3A_178 = arith.constant 0 : i32
    %dma_start3A_179 = arith.constant 0 : i32
    %dma_start3A_180 = tpu.memref_slice %arg6[%dma_start3A_169, %dma_start3A_178, %dma_start3A_179] : memref<4x256x64xf32, #tpu.memory_space<vmem>> -> memref<1x256x64xf32, #tpu.memory_space<vmem>>
    %dma_start3A_181 = tpu.memref_squeeze %dma_start3A_180 : memref<1x256x64xf32, #tpu.memory_space<vmem>> -> memref<256x64xf32, #tpu.memory_space<vmem>>
    tpu.enqueue_dma source(%dma_start3A_181 : memref<256x64xf32, #tpu.memory_space<vmem>>) target(%dma_start3A_177 : memref<256x64xf32, #tpu.memory_space<hbm>>) target_semaphore(%arg12 : memref<!tpu.dma_semaphore, #tpu.memory_space<semaphore_mem>>)
    %dma_wait3A_182 = arith.constant 196 : i32
    %dma_wait3A_183 = arith.constant 2 : i32
    %dma_wait3A_184 = arith.constant 0 : i32
    %dma_wait3A_185 = arith.constant 0 : i32
    %dma_wait3A_186 = tpu.memref_slice %arg6[%dma_wait3A_183, %dma_wait3A_184, %dma_wait3A_185] : memref<4x256x64xf32, #tpu.memory_space<vmem>> -> memref<1x128x64xf32, #tpu.memory_space<vmem>>
    %dma_wait3A_187 = tpu.memref_squeeze %dma_wait3A_186 : memref<1x128x64xf32, #tpu.memory_space<vmem>> -> memref<128x64xf32, #tpu.memory_space<vmem>>
    %dma_wait3A_188 = arith.constant 0 : i32
    %dma_wait3A_189 = tpu.memref_slice %arg5[%dma_wait3A_182, %dma_wait3A_188] : memref<200x128xi32, #tpu.memory_space<vmem>> -> memref<1x128xi32, #tpu.memory_space<vmem>>
    %dma_wait3A_190 = tpu.memref_squeeze %dma_wait3A_189 : memref<1x128xi32, #tpu.memory_space<vmem>> -> memref<128xi32, #tpu.memory_space<vmem>>
    %dma_wait3A_191 = arith.constant 0 : i32
    %dma_wait3A_192 = arith.constant 0 : i32
    %dma_wait3A_193 = tpu.memref_slice %arg3[%dma_wait3A_191, %dma_wait3A_192] : memref<1000000x64xf32, #tpu.memory_space<hbm>> -> memref<1000000x64xf32, #tpu.memory_space<hbm>>
    tpu.wait_indirect_dma semaphore(%arg9 : memref<!tpu.dma_semaphore, #tpu.memory_space<semaphore_mem>>) src(%dma_wait3A_193 : memref<1000000x64xf32, #tpu.memory_space<hbm>>) dst(%dma_wait3A_187 : memref<128x64xf32, #tpu.memory_space<vmem>>)
    %dma_wait3A_194 = arith.constant 197 : i32
    %dma_wait3A_195 = arith.constant 2 : i32
    %dma_wait3A_196 = arith.constant 128 : i32
    %dma_wait3A_197 = arith.constant 0 : i32
    %dma_wait3A_198 = tpu.memref_slice %arg6[%dma_wait3A_195, %dma_wait3A_196, %dma_wait3A_197] : memref<4x256x64xf32, #tpu.memory_space<vmem>> -> memref<1x128x64xf32, #tpu.memory_space<vmem>>
    %dma_wait3A_199 = tpu.memref_squeeze %dma_wait3A_198 : memref<1x128x64xf32, #tpu.memory_space<vmem>> -> memref<128x64xf32, #tpu.memory_space<vmem>>
    %dma_wait3A_200 = arith.constant 0 : i32
    %dma_wait3A_201 = tpu.memref_slice %arg5[%dma_wait3A_194, %dma_wait3A_200] : memref<200x128xi32, #tpu.memory_space<vmem>> -> memref<1x128xi32, #tpu.memory_space<vmem>>
    %dma_wait3A_202 = tpu.memref_squeeze %dma_wait3A_201 : memref<1x128xi32, #tpu.memory_space<vmem>> -> memref<128xi32, #tpu.memory_space<vmem>>
    %dma_wait3A_203 = arith.constant 0 : i32
    %dma_wait3A_204 = arith.constant 0 : i32
    %dma_wait3A_205 = tpu.memref_slice %arg3[%dma_wait3A_203, %dma_wait3A_204] : memref<1000000x64xf32, #tpu.memory_space<hbm>> -> memref<1000000x64xf32, #tpu.memory_space<hbm>>
    tpu.wait_indirect_dma semaphore(%arg9 : memref<!tpu.dma_semaphore, #tpu.memory_space<semaphore_mem>>) src(%dma_wait3A_205 : memref<1000000x64xf32, #tpu.memory_space<hbm>>) dst(%dma_wait3A_199 : memref<128x64xf32, #tpu.memory_space<vmem>>)
    %add3A_206 = arith.constant 25088 : i32
    %add3A_207 = arith.addi %mul3A_2, %add3A_206 : i32
    %dma_start3A_208 = arith.constant 2 : i32
    %dma_start3A_209 = arith.constant 0 : i32
    %dma_start3A_210 = arith.constant 0 : i32
    %dma_start3A_211 = tpu.memref_slice %arg6[%dma_start3A_208, %dma_start3A_209, %dma_start3A_210] : memref<4x256x64xf32, #tpu.memory_space<vmem>> -> memref<1x256x64xf32, #tpu.memory_space<vmem>>
    %dma_start3A_212 = tpu.memref_squeeze %dma_start3A_211 : memref<1x256x64xf32, #tpu.memory_space<vmem>> -> memref<256x64xf32, #tpu.memory_space<vmem>>
    %dma_start3A_213 = arith.constant 0 : i32
    %dma_start3A_214 = tpu.memref_slice %arg4[%add3A_207, %dma_start3A_213] : memref<819200x64xf32, #tpu.memory_space<hbm>> -> memref<256x64xf32, #tpu.memory_space<hbm>>
    %dma_start3A_215 = arith.constant 0 : i32
    %dma_start3A_216 = tpu.memref_slice %arg4[%add3A_207, %dma_start3A_215] : memref<819200x64xf32, #tpu.memory_space<hbm>> -> memref<256x64xf32, #tpu.memory_space<hbm>>
    %dma_start3A_217 = arith.constant 0 : i32
    %dma_start3A_218 = arith.constant 0 : i32
    %dma_start3A_219 = tpu.memref_slice %arg6[%dma_start3A_208, %dma_start3A_217, %dma_start3A_218] : memref<4x256x64xf32, #tpu.memory_space<vmem>> -> memref<1x256x64xf32, #tpu.memory_space<vmem>>
    %dma_start3A_220 = tpu.memref_squeeze %dma_start3A_219 : memref<1x256x64xf32, #tpu.memory_space<vmem>> -> memref<256x64xf32, #tpu.memory_space<vmem>>
    tpu.enqueue_dma source(%dma_start3A_220 : memref<256x64xf32, #tpu.memory_space<vmem>>) target(%dma_start3A_216 : memref<256x64xf32, #tpu.memory_space<hbm>>) target_semaphore(%arg13 : memref<!tpu.dma_semaphore, #tpu.memory_space<semaphore_mem>>)
    %dma_wait3A_221 = arith.constant 198 : i32
    %dma_wait3A_222 = arith.constant 3 : i32
    %dma_wait3A_223 = arith.constant 0 : i32
    %dma_wait3A_224 = arith.constant 0 : i32
    %dma_wait3A_225 = tpu.memref_slice %arg6[%dma_wait3A_222, %dma_wait3A_223, %dma_wait3A_224] : memref<4x256x64xf32, #tpu.memory_space<vmem>> -> memref<1x128x64xf32, #tpu.memory_space<vmem>>
    %dma_wait3A_226 = tpu.memref_squeeze %dma_wait3A_225 : memref<1x128x64xf32, #tpu.memory_space<vmem>> -> memref<128x64xf32, #tpu.memory_space<vmem>>
    %dma_wait3A_227 = arith.constant 0 : i32
    %dma_wait3A_228 = tpu.memref_slice %arg5[%dma_wait3A_221, %dma_wait3A_227] : memref<200x128xi32, #tpu.memory_space<vmem>> -> memref<1x128xi32, #tpu.memory_space<vmem>>
    %dma_wait3A_229 = tpu.memref_squeeze %dma_wait3A_228 : memref<1x128xi32, #tpu.memory_space<vmem>> -> memref<128xi32, #tpu.memory_space<vmem>>
    %dma_wait3A_230 = arith.constant 0 : i32
    %dma_wait3A_231 = arith.constant 0 : i32
    %dma_wait3A_232 = tpu.memref_slice %arg3[%dma_wait3A_230, %dma_wait3A_231] : memref<1000000x64xf32, #tpu.memory_space<hbm>> -> memref<1000000x64xf32, #tpu.memory_space<hbm>>
    tpu.wait_indirect_dma semaphore(%arg10 : memref<!tpu.dma_semaphore, #tpu.memory_space<semaphore_mem>>) src(%dma_wait3A_232 : memref<1000000x64xf32, #tpu.memory_space<hbm>>) dst(%dma_wait3A_226 : memref<128x64xf32, #tpu.memory_space<vmem>>)
    %dma_wait3A_233 = arith.constant 199 : i32
    %dma_wait3A_234 = arith.constant 3 : i32
    %dma_wait3A_235 = arith.constant 128 : i32
    %dma_wait3A_236 = arith.constant 0 : i32
    %dma_wait3A_237 = tpu.memref_slice %arg6[%dma_wait3A_234, %dma_wait3A_235, %dma_wait3A_236] : memref<4x256x64xf32, #tpu.memory_space<vmem>> -> memref<1x128x64xf32, #tpu.memory_space<vmem>>
    %dma_wait3A_238 = tpu.memref_squeeze %dma_wait3A_237 : memref<1x128x64xf32, #tpu.memory_space<vmem>> -> memref<128x64xf32, #tpu.memory_space<vmem>>
    %dma_wait3A_239 = arith.constant 0 : i32
    %dma_wait3A_240 = tpu.memref_slice %arg5[%dma_wait3A_233, %dma_wait3A_239] : memref<200x128xi32, #tpu.memory_space<vmem>> -> memref<1x128xi32, #tpu.memory_space<vmem>>
    %dma_wait3A_241 = tpu.memref_squeeze %dma_wait3A_240 : memref<1x128xi32, #tpu.memory_space<vmem>> -> memref<128xi32, #tpu.memory_space<vmem>>
    %dma_wait3A_242 = arith.constant 0 : i32
    %dma_wait3A_243 = arith.constant 0 : i32
    %dma_wait3A_244 = tpu.memref_slice %arg3[%dma_wait3A_242, %dma_wait3A_243] : memref<1000000x64xf32, #tpu.memory_space<hbm>> -> memref<1000000x64xf32, #tpu.memory_space<hbm>>
    tpu.wait_indirect_dma semaphore(%arg10 : memref<!tpu.dma_semaphore, #tpu.memory_space<semaphore_mem>>) src(%dma_wait3A_244 : memref<1000000x64xf32, #tpu.memory_space<hbm>>) dst(%dma_wait3A_238 : memref<128x64xf32, #tpu.memory_space<vmem>>)
    %add3A_245 = arith.constant 25344 : i32
    %add3A_246 = arith.addi %mul3A_2, %add3A_245 : i32
    %dma_start3A_247 = arith.constant 3 : i32
    %dma_start3A_248 = arith.constant 0 : i32
    %dma_start3A_249 = arith.constant 0 : i32
    %dma_start3A_250 = tpu.memref_slice %arg6[%dma_start3A_247, %dma_start3A_248, %dma_start3A_249] : memref<4x256x64xf32, #tpu.memory_space<vmem>> -> memref<1x256x64xf32, #tpu.memory_space<vmem>>
    %dma_start3A_251 = tpu.memref_squeeze %dma_start3A_250 : memref<1x256x64xf32, #tpu.memory_space<vmem>> -> memref<256x64xf32, #tpu.memory_space<vmem>>
    %dma_start3A_252 = arith.constant 0 : i32
    %dma_start3A_253 = tpu.memref_slice %arg4[%add3A_246, %dma_start3A_252] : memref<819200x64xf32, #tpu.memory_space<hbm>> -> memref<256x64xf32, #tpu.memory_space<hbm>>
    %dma_start3A_254 = arith.constant 0 : i32
    %dma_start3A_255 = tpu.memref_slice %arg4[%add3A_246, %dma_start3A_254] : memref<819200x64xf32, #tpu.memory_space<hbm>> -> memref<256x64xf32, #tpu.memory_space<hbm>>
    %dma_start3A_256 = arith.constant 0 : i32
    %dma_start3A_257 = arith.constant 0 : i32
    %dma_start3A_258 = tpu.memref_slice %arg6[%dma_start3A_247, %dma_start3A_256, %dma_start3A_257] : memref<4x256x64xf32, #tpu.memory_space<vmem>> -> memref<1x256x64xf32, #tpu.memory_space<vmem>>
    %dma_start3A_259 = tpu.memref_squeeze %dma_start3A_258 : memref<1x256x64xf32, #tpu.memory_space<vmem>> -> memref<256x64xf32, #tpu.memory_space<vmem>>
    tpu.enqueue_dma source(%dma_start3A_259 : memref<256x64xf32, #tpu.memory_space<vmem>>) target(%dma_start3A_255 : memref<256x64xf32, #tpu.memory_space<hbm>>) target_semaphore(%arg14 : memref<!tpu.dma_semaphore, #tpu.memory_space<semaphore_mem>>)
    %add3A_260 = arith.constant 24576 : i32
    %add3A_261 = arith.addi %mul3A_2, %add3A_260 : i32
    %dma_wait3A_262 = arith.constant 0 : i32
    %dma_wait3A_263 = arith.constant 0 : i32
    %dma_wait3A_264 = arith.constant 0 : i32
    %dma_wait3A_265 = tpu.memref_slice %arg6[%dma_wait3A_262, %dma_wait3A_263, %dma_wait3A_264] : memref<4x256x64xf32, #tpu.memory_space<vmem>> -> memref<1x256x64xf32, #tpu.memory_space<vmem>>
    %dma_wait3A_266 = tpu.memref_squeeze %dma_wait3A_265 : memref<1x256x64xf32, #tpu.memory_space<vmem>> -> memref<256x64xf32, #tpu.memory_space<vmem>>
    %dma_wait3A_267 = arith.constant 0 : i32
    %dma_wait3A_268 = tpu.memref_slice %arg4[%add3A_261, %dma_wait3A_267] : memref<819200x64xf32, #tpu.memory_space<hbm>> -> memref<256x64xf32, #tpu.memory_space<hbm>>
    %dma_wait3A_269 = arith.constant 0 : i32
    %dma_wait3A_270 = tpu.memref_slice %arg4[%add3A_261, %dma_wait3A_269] : memref<819200x64xf32, #tpu.memory_space<hbm>> -> memref<256x64xf32, #tpu.memory_space<hbm>>
    %dma_wait3A_271 = arith.constant 0 : i32
    %dma_wait3A_272 = arith.constant 0 : i32
    %dma_wait3A_273 = tpu.memref_slice %arg6[%dma_wait3A_262, %dma_wait3A_271, %dma_wait3A_272] : memref<4x256x64xf32, #tpu.memory_space<vmem>> -> memref<1x256x64xf32, #tpu.memory_space<vmem>>
    %dma_wait3A_274 = tpu.memref_squeeze %dma_wait3A_273 : memref<1x256x64xf32, #tpu.memory_space<vmem>> -> memref<256x64xf32, #tpu.memory_space<vmem>>
    tpu.wait_dma2 semaphore(%arg11 : memref<!tpu.dma_semaphore, #tpu.memory_space<semaphore_mem>>) src(%dma_wait3A_274 : memref<256x64xf32, #tpu.memory_space<vmem>>) dst(%dma_wait3A_270 : memref<256x64xf32, #tpu.memory_space<hbm>>)
    %add3A_275 = arith.constant 24832 : i32
    %add3A_276 = arith.addi %mul3A_2, %add3A_275 : i32
    %dma_wait3A_277 = arith.constant 1 : i32
    %dma_wait3A_278 = arith.constant 0 : i32
    %dma_wait3A_279 = arith.constant 0 : i32
    %dma_wait3A_280 = tpu.memref_slice %arg6[%dma_wait3A_277, %dma_wait3A_278, %dma_wait3A_279] : memref<4x256x64xf32, #tpu.memory_space<vmem>> -> memref<1x256x64xf32, #tpu.memory_space<vmem>>
    %dma_wait3A_281 = tpu.memref_squeeze %dma_wait3A_280 : memref<1x256x64xf32, #tpu.memory_space<vmem>> -> memref<256x64xf32, #tpu.memory_space<vmem>>
    %dma_wait3A_282 = arith.constant 0 : i32
    %dma_wait3A_283 = tpu.memref_slice %arg4[%add3A_276, %dma_wait3A_282] : memref<819200x64xf32, #tpu.memory_space<hbm>> -> memref<256x64xf32, #tpu.memory_space<hbm>>
    %dma_wait3A_284 = arith.constant 0 : i32
    %dma_wait3A_285 = tpu.memref_slice %arg4[%add3A_276, %dma_wait3A_284] : memref<819200x64xf32, #tpu.memory_space<hbm>> -> memref<256x64xf32, #tpu.memory_space<hbm>>
    %dma_wait3A_286 = arith.constant 0 : i32
    %dma_wait3A_287 = arith.constant 0 : i32
    %dma_wait3A_288 = tpu.memref_slice %arg6[%dma_wait3A_277, %dma_wait3A_286, %dma_wait3A_287] : memref<4x256x64xf32, #tpu.memory_space<vmem>> -> memref<1x256x64xf32, #tpu.memory_space<vmem>>
    %dma_wait3A_289 = tpu.memref_squeeze %dma_wait3A_288 : memref<1x256x64xf32, #tpu.memory_space<vmem>> -> memref<256x64xf32, #tpu.memory_space<vmem>>
    tpu.wait_dma2 semaphore(%arg12 : memref<!tpu.dma_semaphore, #tpu.memory_space<semaphore_mem>>) src(%dma_wait3A_289 : memref<256x64xf32, #tpu.memory_space<vmem>>) dst(%dma_wait3A_285 : memref<256x64xf32, #tpu.memory_space<hbm>>)
    %add3A_290 = arith.constant 25088 : i32
    %add3A_291 = arith.addi %mul3A_2, %add3A_290 : i32
    %dma_wait3A_292 = arith.constant 2 : i32
    %dma_wait3A_293 = arith.constant 0 : i32
    %dma_wait3A_294 = arith.constant 0 : i32
    %dma_wait3A_295 = tpu.memref_slice %arg6[%dma_wait3A_292, %dma_wait3A_293, %dma_wait3A_294] : memref<4x256x64xf32, #tpu.memory_space<vmem>> -> memref<1x256x64xf32, #tpu.memory_space<vmem>>
    %dma_wait3A_296 = tpu.memref_squeeze %dma_wait3A_295 : memref<1x256x64xf32, #tpu.memory_space<vmem>> -> memref<256x64xf32, #tpu.memory_space<vmem>>
    %dma_wait3A_297 = arith.constant 0 : i32
    %dma_wait3A_298 = tpu.memref_slice %arg4[%add3A_291, %dma_wait3A_297] : memref<819200x64xf32, #tpu.memory_space<hbm>> -> memref<256x64xf32, #tpu.memory_space<hbm>>
    %dma_wait3A_299 = arith.constant 0 : i32
    %dma_wait3A_300 = tpu.memref_slice %arg4[%add3A_291, %dma_wait3A_299] : memref<819200x64xf32, #tpu.memory_space<hbm>> -> memref<256x64xf32, #tpu.memory_space<hbm>>
    %dma_wait3A_301 = arith.constant 0 : i32
    %dma_wait3A_302 = arith.constant 0 : i32
    %dma_wait3A_303 = tpu.memref_slice %arg6[%dma_wait3A_292, %dma_wait3A_301, %dma_wait3A_302] : memref<4x256x64xf32, #tpu.memory_space<vmem>> -> memref<1x256x64xf32, #tpu.memory_space<vmem>>
    %dma_wait3A_304 = tpu.memref_squeeze %dma_wait3A_303 : memref<1x256x64xf32, #tpu.memory_space<vmem>> -> memref<256x64xf32, #tpu.memory_space<vmem>>
    tpu.wait_dma2 semaphore(%arg13 : memref<!tpu.dma_semaphore, #tpu.memory_space<semaphore_mem>>) src(%dma_wait3A_304 : memref<256x64xf32, #tpu.memory_space<vmem>>) dst(%dma_wait3A_300 : memref<256x64xf32, #tpu.memory_space<hbm>>)
    %add3A_305 = arith.constant 25344 : i32
    %add3A_306 = arith.addi %mul3A_2, %add3A_305 : i32
    %dma_wait3A_307 = arith.constant 3 : i32
    %dma_wait3A_308 = arith.constant 0 : i32
    %dma_wait3A_309 = arith.constant 0 : i32
    %dma_wait3A_310 = tpu.memref_slice %arg6[%dma_wait3A_307, %dma_wait3A_308, %dma_wait3A_309] : memref<4x256x64xf32, #tpu.memory_space<vmem>> -> memref<1x256x64xf32, #tpu.memory_space<vmem>>
    %dma_wait3A_311 = tpu.memref_squeeze %dma_wait3A_310 : memref<1x256x64xf32, #tpu.memory_space<vmem>> -> memref<256x64xf32, #tpu.memory_space<vmem>>
    %dma_wait3A_312 = arith.constant 0 : i32
    %dma_wait3A_313 = tpu.memref_slice %arg4[%add3A_306, %dma_wait3A_312] : memref<819200x64xf32, #tpu.memory_space<hbm>> -> memref<256x64xf32, #tpu.memory_space<hbm>>
    %dma_wait3A_314 = arith.constant 0 : i32
    %dma_wait3A_315 = tpu.memref_slice %arg4[%add3A_306, %dma_wait3A_314] : memref<819200x64xf32, #tpu.memory_space<hbm>> -> memref<256x64xf32, #tpu.memory_space<hbm>>
    %dma_wait3A_316 = arith.constant 0 : i32
    %dma_wait3A_317 = arith.constant 0 : i32
    %dma_wait3A_318 = tpu.memref_slice %arg6[%dma_wait3A_307, %dma_wait3A_316, %dma_wait3A_317] : memref<4x256x64xf32, #tpu.memory_space<vmem>> -> memref<1x256x64xf32, #tpu.memory_space<vmem>>
    %dma_wait3A_319 = tpu.memref_squeeze %dma_wait3A_318 : memref<1x256x64xf32, #tpu.memory_space<vmem>> -> memref<256x64xf32, #tpu.memory_space<vmem>>
    tpu.wait_dma2 semaphore(%arg14 : memref<!tpu.dma_semaphore, #tpu.memory_space<semaphore_mem>>) src(%dma_wait3A_319 : memref<256x64xf32, #tpu.memory_space<vmem>>) dst(%dma_wait3A_315 : memref<256x64xf32, #tpu.memory_space<hbm>>)
    return
  }
}

</mosaic_0001>

<sc_bundles>
// kernel: kernel.3.cloned.1.call-start
scs
__scs_entry_jumppad:
0x0: {  	(pc) =	sbr.rel $0x88, $3  }
0x1: {  	(tag) =	ssettag $0x0;
	lr =	simm.s32 $0x1  }
0x2: {  	[smem:$0x3F9F] =	sst lr;
	_ =	strace $0xD0000000  }
0x3: {  	_ = 	snop  }
0x4: {  	_ = 	snop  }
0x5: {  	_ = 	snop  }
0x6: {  	_ = 	snop  }
0x7: {  	_ = 	snop  }
__scs_overlays_trampoline_lowered:
0x8: {  	[smem:$0x3FAE] =	sst s0  }
0x9: {  	[smem:$0x3FAF] =	sst s1  }
0xa: {  	[smem:$0x3FB0] =	sst s2  }
0xb: {  	[smem:$0x3FB1] =	sst s3  }
0xc: {  	[smem:$0x3FB2] =	sst s4  }
0xd: {  	[smem:$0x3FB3] =	sst s5  }
0xe: {  	[smem:$0x3FB4] =	sst s6  }
0xf: {  	[smem:$0x3FB5] =	sst s7  }
0x10: {  	[smem:$0x3FB6] =	sst s8  }
0x11: {  	[smem:$0x3FB7] =	sst s9;
	s0 =	simm.s32 @!p0 $0x0  }
0x12: {  	s1 =	sld [smem:$0x3F9D];
	s0 =	simm.s32 @p0 $0x1  }
0x13: {  	[smem:$0x3FB8] =	sst s0;
	s0 =	simm.s32 @!p1 $0x0  }
0x14: {  	s2 =	sld [smem:$0x3F9C];
	s0 =	simm.s32 @p1 $0x1  }
0x15: {  	[smem:$0x3FB9] =	sst s0;
	s0 =	simm.s32 @!p2 $0x0  }
0x16: {  	s3 =	sld [smem:$0x3FDB];
	s0 =	simm.s32 @p2 $0x1  }
0x17: {  	s4 =	simm.s32 $0x1BF5;
	[smem:$0x3FBB] =	sst s0  }
0x18: {  	s0 =	sld [smem:$0x3F9E];
	_ =	swait.ge [sflag:s4], $0x0  }
0x19: {  	s7 =	sld [smem:$0x3F9F]  }
0x1a: {  	s8 =	sadd.s32 $0xFFFFE003, lr  }
0x1b: {  	s9 =	sadd.s32 $0xFFFFFEF7, lr;
	s5 =	simm.s32 $0xFFFFFFFF;
	p2 =	slt.u32 s8, $0xFFFFF086  }
0x1c: {  	p1 =	slt.u32 s9, $0xF7A;
	s5 =	simm.s32 @!p2 $0x0  }
0x1d: {  	s5 =	simm.s32 @p1 $0x1;
	p0 =	seq.s32 s7, s2  }
0x1e: {  	s7 =	smul.u32 @!p0 $0xF7A, s2;
	p2 =	seq.s32 @!p0 s5, $0x0  }
0x1f: {  	s9 =	smul.u32 $0xF7A, s1;
	s8 =	simm.s32 @!p0 $0x1BF5;
	p2 =	por !p2, p0  }
0x20: {  	[sflag:s8] =	ssyncset.s32 @!p0 $0xFFFFF086;
	s6 =	sadd.s32 @!p0 s3, s7;
	s7 =	simm.s32 @!p0 $0x108  }
0x21: {  	s3 =	sadd.s32 s3, s9;
	s6 =	sadd.s32 @!p0 $0x88, s6;
	s7 =	simm.s32 @p2 $0x1082  }
0x22: {  	[simem:s7], [sflag:s8] =	dma.local @!p0 [hbm:s6], $0xF7A  }
0x23: {  	s9 =	sor.u32 $0xD0000000, s2;
	s6 =	simm.s32 $0x108;
	_ =	swait.ge @!p0 [sflag:s8], $0x0  }
0x24: {  	s3 =	sadd.s32 $0x88, s3;
	s6 =	simm.s32 @!p1 $0x1082;
	[sflag:s4] =	ssyncset.s32 $0xFFFFF086  }
0x25: {  	[simem:s6], [sflag:s4] =	dma.local [hbm:s3], $0xF7A  }
0x26: {  	[smem:$0x3F9F] =	sst s1;
	(tag) =	ssettag s2;
	_ =	strace s9  }
0x27: {  	s1 =	sld [smem:$0x3FAF]  }
0x28: {  	s2 =	sld [smem:$0x3FB0]  }
0x29: {  	s4 =	sld [smem:$0x3FB2]  }
0x2a: {  	p0 =	seq.s32 s5, $0x0;
	s5 =	sld [smem:$0x3FB3]  }
0x2b: {  	s6 =	sld [smem:$0x3FB4]  }
0x2c: {  	s7 =	sld [smem:$0x3FB5]  }
0x2d: {  	s3 =	simm.s32 $0x108;
	s8 =	sld [smem:$0x3FB6]  }
0x2e: {  	s3 =	simm.s32 @!p0 $0x1082;
	s9 =	sld [smem:$0x3FB7]  }
0x2f: {  	lr =	sadd.s32 s0, s3;
	s0 =	sld [smem:$0x3FAE]  }
0x30: {  	s3 =	sld [smem:$0x3FB1]  }
0x31: {  	[smem:$0x3FBA] =	sst s10  }
0x32: {  	s10 =	sld [smem:$0x3FB8];
	_ =	sdelay $0x3  }
0x33: {  	p0 =	seq.s32 s10, $0x1;
	s10 =	sld [smem:$0x3FBA];
	_ =	sdelay $0x3  }
0x34: {  	[smem:$0x3FBA] =	sst s10  }
0x35: {  	s10 =	sld [smem:$0x3FB9];
	_ =	sdelay $0x3  }
0x36: {  	p1 =	seq.s32 s10, $0x1;
	s10 =	sld [smem:$0x3FBA];
	_ =	sdelay $0x3  }
0x37: {  	[smem:$0x3FBA] =	sst s10  }
0x38: {  	s10 =	sld [smem:$0x3FBB]  }
0x39: {  	_ = 	snop;
	(pc) =	sbr.ind lr, $3  }
0x3a: {  	_ = 	snop  }
0x3b: {  	_ = 	snop  }
0x3c: {  	p2 =	seq.s32 s10, $0x1;
	s10 =	sld [smem:$0x3FBA]  }
0x3d: {  	_ =	shalt  }
0x3e: {  	_ =	shalt  }
0x3f: {  	_ =	shalt  }
0x40: {  	_ =	shalt  }
0x41: {  	_ =	shalt  }
0x42: {  	_ =	shalt  }
0x43: {  	_ =	shalt  }
0x44: {  	_ =	shalt  }
0x45: {  	_ =	shalt  }
0x46: {  	_ =	shalt  }
0x47: {  	_ =	shalt  }
0x48: {  	_ =	shalt  }
0x49: {  	_ =	shalt  }
0x4a: {  	_ =	shalt  }
0x4b: {  	_ =	shalt  }
0x4c: {  	_ =	shalt  }
0x4d: {  	_ =	shalt  }
0x4e: {  	_ =	shalt  }
0x4f: {  	_ =	shalt  }
0x50: {  	_ =	shalt  }
0x51: {  	_ =	shalt  }
0x52: {  	_ =	shalt  }
0x53: {  	_ =	shalt  }
0x54: {  	_ =	shalt  }
0x55: {  	_ =	shalt  }
0x56: {  	_ =	shalt  }
0x57: {  	_ =	shalt  }
0x58: {  	_ =	shalt  }
0x59: {  	_ =	shalt  }
0x5a: {  	_ =	shalt  }
0x5b: {  	_ =	shalt  }
0x5c: {  	_ =	shalt  }
0x5d: {  	_ =	shalt  }
0x5e: {  	_ =	shalt  }
0x5f: {  	_ =	shalt  }
0x60: {  	_ =	shalt  }
0x61: {  	_ =	shalt  }
0x62: {  	_ =	shalt  }
0x63: {  	_ =	shalt  }
0x64: {  	_ =	shalt  }
0x65: {  	_ =	shalt  }
0x66: {  	_ =	shalt  }
0x67: {  	_ =	shalt  }
0x68: {  	_ =	shalt  }
0x69: {  	_ =	shalt  }
0x6a: {  	_ =	shalt  }
0x6b: {  	_ =	shalt  }
0x6c: {  	_ =	shalt  }
0x6d: {  	_ =	shalt  }
0x6e: {  	_ =	shalt  }
0x6f: {  	_ =	shalt  }
0x70: {  	_ =	shalt  }
0x71: {  	_ =	shalt  }
0x72: {  	_ =	shalt  }
0x73: {  	_ =	shalt  }
0x74: {  	_ =	shalt  }
0x75: {  	_ =	shalt  }
0x76: {  	_ =	shalt  }
0x77: {  	_ =	shalt  }
0x78: {  	_ =	shalt  }
0x79: {  	_ =	shalt  }
0x7a: {  	_ =	shalt  }
0x7b: {  	_ =	shalt  }
0x7c: {  	_ =	shalt  }
0x7d: {  	_ =	shalt  }
0x7e: {  	_ =	shalt  }
0x7f: {  	_ =	shalt  }
0x80: {  	_ =	shalt  }
0x81: {  	_ =	shalt  }
0x82: {  	_ =	shalt  }
0x83: {  	_ =	shalt  }
0x84: {  	_ =	shalt  }
0x85: {  	_ =	shalt  }
0x86: {  	_ =	shalt  }
0x87: {  	_ =	shalt  }
.Lfunc_end0:
.L_simem_size_0:
called_computation.1_lowered:
.L_overlay_start_0:
0x88: {  	s2 =	sld [smem:$0x3FD9]  }
0x89: {  	s3 =	sld [smem:$0x3FFE];
	_ =	sdelay $0x1  }
0x8a: {  	s1 =	srdreg.scid  }
0x8b: {  	s0 =	sand.u32 $0x1, s1  }
0x8c: {  	s17 =	sshll.u32 s0, $0xA;
	s2 =	sadd.s32 s3, s2  }
0x8d: {  	s2 =	sadd.s32 s2, s17  }
0x8e: {  	[smem:$0x3FC6] =	sst s2  }
0x8f: {  	_ = 	snop  }
0x90: {  	s2 =	sld [smem:$0x3FD0];
	(tm) =	ssettm $0x1  }
0x91: {  	s18 =	sld [smem:$0x3FFB];
	_ =	sdelay $0x3  }
0x92: {  	_ =	strace s18  }
0x93: {  	s3 =	sld [smem:$0x3FFC];
	_ =	sdelay $0x3  }
0x94: {  	_ =	strace s3  }
0x95: {  	s3 =	sld [smem:$0x3FFD];
	_ =	sdelay $0x3  }
0x96: {  	_ =	strace s3  }
0x97: {  	_ =	strace $0x8FFFFFFF  }
0x98: {  	s19 =	sld [smem:$0x3FDB];
	_ =	sdelay $0x1  }
0x99: {  	s4 =	simm.s32 $_scs_section_size  }
0x9a: {  	s5 =	simm.s32 $_size__tile_overlayer_lowered;
	s6 =	simm.s32 $_tile_overlayer_lowered  }
0x9b: {  	s22 =	simm.s32 $0x1BFF;
	s21 =	sshll.u32 s6, $0x1;
	s3 =	sadd.s32 s4, s19  }
0x9c: {  	s7 =	simm.s32 $0x0;
	s20 =	sshll.u32 s5, $0x1;
	s5 =	sadd.s32 s21, s3  }
0x9d: {  	[timem:s7], [sflag:s22] =	dma.local [hbm:s5], s20  }
0x9e: {  	_ =	swait.ge [sflag:s22], s20  }
0x9f: {  	s4 =	ssub.s32 $0x0, s20;
	[sflag:s22] =	ssyncset.done $0x0  }
0xa0: {  	[sflag:s22] =	ssyncadd.s32 s4;
	_ =	sdelay $0x1  }
0xa1: {  	s23 =	simm.s32 $0x1B8B  }
0xa2: {  	_ =	swait.ge [sflag:s23], $0x1  }
0xa3: {  	[sflag:s23] =	ssyncset.done $0x0  }
0xa4: {  	s25 =	simm.s32 $0x1B8E;
	s24 =	sld [smem:$0x3FFE];
	[sflag:s23] =	ssyncadd.s32 $0xFFFFFFFF  }
0xa5: {  	s26 =	simm.s32 $execute0_lowered;
	[smem:$0x3FD2] =	sst s25  }
0xa6: {  	s5 =	sshll.u32 s26, $0x1;
	_ =	strace $0x80000046;
	[dreg:$0x1] =	wrdreg $0xFFFFFFFF  }
0xa7: {  	s28 =	simm.s32 $_size_execute0_lowered;
	s3 =	sadd.s32 s3, s5;
	[dreg:$0x0] =	wrdreg $0x0  }
0xa8: {  	s5 =	sshll.u32 s28, $0x1;
	[dreg:$0x2] =	wrdreg s3  }
0xa9: {  	[dreg:$0x3] =	wrdreg s5  }
0xaa: {  	[dreg:$0x4] =	wrdreg $0xC0  }
0xab: {  	_ =	task [dreg:s7], $0x5FFFF  }
0xac: {  	[dreg:$0x1] =	wrdreg $0xFFFFFFFF  }
0xad: {  	[dreg:$0x0] =	wrdreg $0x60  }
0xae: {  	[dreg:$0x2] =	wrdreg s24  }
0xaf: {  	[dreg:$0x3] =	wrdreg s2  }
0xb0: {  	[dreg:$0x4] =	wrdreg $0x9  }
0xb1: {  	_ =	task.clear_ibuf [dreg:s7], $0x5FFFF;
	_ =	strace $0x90000046  }
0xb2: {  	s29 =	simm.s32 $0x9;
	_ =	strace $0x80000048  }
0xb3: {  	_ =	swait.ge [sflag:s29], $0x1  }
0xb4: {  	[sflag:s29] =	ssyncadd.s32 $0xFFFFFFFF  }
0xb5: {  	_ =	strace $0x90000048  }
0xb6: {  	_ =	sfence  }
0xb7: {  	s30 =	sld [smem:$0x0];
	_ =	sdelay $0x2  }
0xb8: {  	s31 =	sshll.u32 s1, $0xD;
	s1 =	sshrl.u32 s1, $0x2  }
0xb9: {  	s3 =	sand.u32 $0x4000, s31;
	s1 =	sadd.s32 s1, s30  }
0xba: {  	s0 =	sor.u32 s3, s0;
	s1 =	sshll.u32 s1, $0x11  }
0xbb: {  	s0 =	sor.u32 s1, s0  }
0xbc: {  	s0 =	sadd.s32 $0x8F2B, s0  }
0xbd: {  	[sflag:s0] =	ssyncadd.remote.s32 $0x1  }
0xbe: {  	_ =	sfence.sel $0xFFFF  }
0xbf: {  	[dreg:$0x0] =	wrdreg $0xFFFFFFFF;
	(pc) =	sbr.abs _section_cstart, $3  }
0xc0: {  	[dreg:$0x1] =	wrdreg $0xFFFFFFFF  }
0xc1: {  	_ =	task.clear_ibuf [dreg:s7], $0x2FFFF;
	_ =	strace $0x9FFFFFFF  }
0xc2: {  	(tm) =	ssettm $0x7FFFFFFF  }
0xc3: {  	_ =	shalt  }
tec
execute0_lowered:
.L_overlay_start_1:
0x0: {  	(tag) =	ssettag $0x1  }
0x1: {  	s0 =	rddreg [dreg:$0x0];
	s1 =	srdreg.scid  }
0x2: {  	s9 =	stileid.u32;
	s4 =	rddreg [dreg:$0x1];
	s2 =	simm.s32 $0x0  }
0x3: {  	s15 =	simm.s32 $0x80;
	s16 =	simm.s32 $0x6400;
	s17 =	simm.s32 $0x8400  }
0x4: {  	s19 =	simm.s32 $0xA400;
	s28 =	simm.s32 $0x12400;
	s8 =	smul.u32 $0x320000, s9  }
0x5: {  	s1 =	sand.u32 $0x1, s1;
	s3 =	sshll.u32 s9, $0x1;
	s9 =	smul.u32 $0xC800, s9  }
0x6: {  	s30 =	simm.s32 $0x14400;
	s31 =	simm.s32 $0x1;
	s21 =	smul.u32 $0x6400, s1  }
0x7: {  	s3 =	sor.u32 s1, s3;
	s7 =	ssub.s32 $0x2, s1;
	s1 =	smul.u32 $0x190000, s1  }
0x8: {  	s18 =	simm.s32 $0x6;
	[smem:$0x7FF] =	sst s2;
	s5 =	smul.u32 $0xC80, s3  }
0x9: {  	s29 =	simm.s32 $0x0;
	_ =	strace $0x80000047;
	s6 =	smul.u32 $0x190000, s3  }
0xa: {  	s3 =	sadd.s32 $0xF42E00, s0;
	s20 =	sshrl.u32 s7, $0x1;
	s24 =	sadd.s32 s21, s9  }
0xb: {  	s1 =	sadd.s32 s1, s8;
	s21 =	simm.s32 $0xC400;
	s5 =	sadd.s32 s5, s0  }
0xc: {  	s0 =	ssub.s32 s7, s20;
	s6 =	sshrl.u32 s6, $0x3;
	s1 =	sshrl.u32 s1, $0x3  }
0xd: {  	s20 =	simm.s32 $0x3;
	s5 =	sadd.s32 $0xA00, s5;
	s22 =	sadd.s32 s4, s6  }
0xe: {  	s0 =	smax.u32 s0, $0x1;
	s10 =	sadd.s32 s1, s4;
	[dreg:$0x3] =	wrdreg s5  }
0xf: {  	s1 =	simm.s32 $0x5;
	s6 =	sadd.s32 $0x30000, s22;
	[dreg:$0x8] =	wrdreg s0  }
0x10: {  	s23 =	sadd.s32 $0x30800, s22;
	s25 =	sadd.s32 $0x31000, s22;
	[dreg:$0x4] =	wrdreg s6  }
0x11: {  	s5 =	sadd.s32 $0x31800, s22;
	s0 =	simm.s32 $0x2;
	[dreg:$0x5] =	wrdreg s23  }
0x12: {  	s22 =	simm.s32 $0x7;
	[dreg:$0x6] =	wrdreg s25;
	s6 =	sshll.u32 s24, $0x3  }
0x13: {  	[dreg:$0x7] =	wrdreg s5;
	s23 =	simm.s32 $0xE400;
	s26 =	sadd.s32 s6, s4  }
0x14: {  	s25 =	simm.s32 $0x10400;
	s24 =	simm.s32 $0x4;
	s11 =	sadd.s32 $0x1800, s26  }
0x15: {  	s12 =	sadd.s32 $0x1000, s26;
	s13 =	sadd.s32 $0x800, s26;
	s26 =	simm.s32 $0x8  }
.LBB2_1:
0x16: {  	s4 =	rddreg [dreg:$0x3];
	s9 =	simm.s32 $0x9  }
0x17: {  	[tilespmem:s2], [sflag:$0x9] =	stream.linear.gather [hbm4b:s4+s2], $0x6400, $0x38;
	[tilespmem:$0x16400] =	vst v63  }
0x18: {  	_ =	swait.ge [sflag:s9], $0x6400  }
0x19: {  	[sflag:s9] =	ssyncset.done $0x0  }
0x1a: {  	[sflag:s9] =	ssyncadd.s32 $0xFFFF9C00  }
0x1b: {  	[tilespmem:s16], [sflag:$0x1] =	stream.indirect.gather [hbm4b:s3+s15], $0x40, s2, s15, $0xb8;
	[tilespmem:$0x16400] =	vst v63  }
0x1c: {  	_ = 	snop  }
0x1d: {  	[tilespmem:s17], [sflag:$0x1] =	stream.indirect.gather [hbm4b:s3+s15], $0x40, s15, s15, $0xb8;
	[tilespmem:$0x16400] =	vst v63  }
0x1e: {  	s14 =	simm.s32 $0x100  }
0x1f: {  	[tilespmem:s19], [sflag:$0x2] =	stream.indirect.gather [hbm4b:s3+s15], $0x40, s14, s15, $0xb8;
	[tilespmem:$0x16400] =	vst v63  }
0x20: {  	s5 =	simm.s32 $0x180  }
0x21: {  	[tilespmem:s21], [sflag:$0x2] =	stream.indirect.gather [hbm4b:s3+s15], $0x40, s5, s15, $0xb8;
	[tilespmem:$0x16400] =	vst v63  }
0x22: {  	s6 =	simm.s32 $0x200  }
0x23: {  	[tilespmem:s23], [sflag:$0x3] =	stream.indirect.gather [hbm4b:s3+s15], $0x40, s6, s15, $0xb8;
	[tilespmem:$0x16400] =	vst v63  }
0x24: {  	s7 =	simm.s32 $0x280  }
0x25: {  	[tilespmem:s25], [sflag:$0x3] =	stream.indirect.gather [hbm4b:s3+s15], $0x40, s7, s15, $0xb8;
	[tilespmem:$0x16400] =	vst v63  }
0x26: {  	s8 =	simm.s32 $0x300  }
0x27: {  	[tilespmem:s28], [sflag:$0x4] =	stream.indirect.gather [hbm4b:s3+s15], $0x40, s8, s15, $0xb8;
	[tilespmem:$0x16400] =	vst v63  }
0x28: {  	s9 =	simm.s32 $0x380  }
0x29: {  	[tilespmem:s30], [sflag:$0x4] =	stream.indirect.gather [hbm4b:s3+s15], $0x40, s9, s15, $0xb8;
	[tilespmem:$0x16400] =	vst v63  }
0x2a: {  	_ =	swait.ge [sflag:s31], $0x2000  }
0x2b: {  	[sflag:s31] =	ssyncset.done $0x0  }
0x2c: {  	[sflag:s31] =	ssyncadd.s32 $0xFFFFE000  }
0x2d: {  	_ =	swait.ge [sflag:s31], $0x2000  }
0x2e: {  	[sflag:s31] =	ssyncset.done $0x0  }
0x2f: {  	[sflag:s31] =	ssyncadd.s32 $0xFFFFE000  }
0x30: {  	[hbm4b:s10+s2] =	stream.linear.scatter [tilespmem:s16], [sflag:$0x5], $0x4000, $0x38;
	[tilespmem:$0x16400] =	vst v63  }
0x31: {  	_ =	swait.ge [sflag:s1], $0x4000  }
0x32: {  	[sflag:s1] =	ssyncset.done $0x0  }
0x33: {  	s14 =	simm.s32 $0x400;
	[sflag:s1] =	ssyncadd.s32 $0xFFFFC000  }
0x34: {  	[tilespmem:s16], [sflag:$0x1] =	stream.indirect.gather [hbm4b:s3+s15], $0x40, s14, s15, $0xb8;
	[tilespmem:$0x16400] =	vst v63  }
0x35: {  	s5 =	simm.s32 $0x480  }
0x36: {  	[tilespmem:s17], [sflag:$0x1] =	stream.indirect.gather [hbm4b:s3+s15], $0x40, s5, s15, $0xb8;
	[tilespmem:$0x16400] =	vst v63  }
0x37: {  	_ =	swait.ge [sflag:s0], $0x2000  }
0x38: {  	[sflag:s0] =	ssyncset.done $0x0  }
0x39: {  	[sflag:s0] =	ssyncadd.s32 $0xFFFFE000  }
0x3a: {  	_ =	swait.ge [sflag:s0], $0x2000  }
0x3b: {  	[sflag:s0] =	ssyncset.done $0x0  }
0x3c: {  	[sflag:s0] =	ssyncadd.s32 $0xFFFFE000  }
0x3d: {  	[hbm4b:s13+s2] =	stream.linear.scatter [tilespmem:s19], [sflag:$0x6], $0x4000, $0x38;
	[tilespmem:$0x16400] =	vst v63  }
0x3e: {  	_ =	swait.ge [sflag:s18], $0x4000  }
0x3f: {  	[sflag:s18] =	ssyncset.done $0x0  }
0x40: {  	s6 =	simm.s32 $0x500;
	[sflag:s18] =	ssyncadd.s32 $0xFFFFC000  }
0x41: {  	[tilespmem:s19], [sflag:$0x2] =	stream.indirect.gather [hbm4b:s3+s15], $0x40, s6, s15, $0xb8;
	[tilespmem:$0x16400] =	vst v63  }
0x42: {  	s7 =	simm.s32 $0x580  }
0x43: {  	[tilespmem:s21], [sflag:$0x2] =	stream.indirect.gather [hbm4b:s3+s15], $0x40, s7, s15, $0xb8;
	[tilespmem:$0x16400] =	vst v63  }
0x44: {  	_ =	swait.ge [sflag:s20], $0x2000  }
0x45: {  	[sflag:s20] =	ssyncset.done $0x0  }
0x46: {  	[sflag:s20] =	ssyncadd.s32 $0xFFFFE000  }
0x47: {  	_ =	swait.ge [sflag:s20], $0x2000  }
0x48: {  	[sflag:s20] =	ssyncset.done $0x0  }
0x49: {  	[sflag:s20] =	ssyncadd.s32 $0xFFFFE000  }
0x4a: {  	[hbm4b:s12+s2] =	stream.linear.scatter [tilespmem:s23], [sflag:$0x7], $0x4000, $0x38;
	[tilespmem:$0x16400] =	vst v63  }
0x4b: {  	_ =	swait.ge [sflag:s22], $0x4000  }
0x4c: {  	[sflag:s22] =	ssyncset.done $0x0  }
0x4d: {  	s8 =	simm.s32 $0x600;
	[sflag:s22] =	ssyncadd.s32 $0xFFFFC000  }
0x4e: {  	[tilespmem:s23], [sflag:$0x3] =	stream.indirect.gather [hbm4b:s3+s15], $0x40, s8, s15, $0xb8;
	[tilespmem:$0x16400] =	vst v63  }
0x4f: {  	s9 =	simm.s32 $0x680  }
0x50: {  	[tilespmem:s25], [sflag:$0x3] =	stream.indirect.gather [hbm4b:s3+s15], $0x40, s9, s15, $0xb8;
	[tilespmem:$0x16400] =	vst v63  }
0x51: {  	_ =	swait.ge [sflag:s24], $0x2000  }
0x52: {  	[sflag:s24] =	ssyncset.done $0x0  }
0x53: {  	[sflag:s24] =	ssyncadd.s32 $0xFFFFE000  }
0x54: {  	_ =	swait.ge [sflag:s24], $0x2000  }
0x55: {  	[sflag:s24] =	ssyncset.done $0x0  }
0x56: {  	s4 =	simm.s32 $0x1000;
	[sflag:s24] =	ssyncadd.s32 $0xFFFFE000  }
0x57: {  	[hbm4b:s11+s2] =	stream.linear.scatter [tilespmem:s28], [sflag:$0x8], $0x4000, $0x38;
	[tilespmem:$0x16400] =	vst v63  }
0x58: {  	s14 =	simm.s32 $0x700;
	s5 =	sadd.s32 $0x2000, s13;
	_ =	swait.ge [sflag:s26], $0x4000  }
0x59: {  	s6 =	sadd.s32 $0x2000, s12;
	s7 =	sadd.s32 $0x2000, s10;
	[sflag:s26] =	ssyncset.done $0x0  }
0x5a: {  	s8 =	sadd.s32 $0x2000, s11;
	s9 =	simm.s32 $0x780;
	[sflag:s26] =	ssyncadd.s32 $0xFFFFC000  }
0x5b: {  	[tilespmem:s28], [sflag:$0x4] =	stream.indirect.gather [hbm4b:s3+s15], $0x40, s14, s15, $0xb8;
	[tilespmem:$0x16400] =	vst v63  }
.LBB2_2:
0x5c: {  	[tilespmem:s30], [sflag:$0x4] =	stream.indirect.gather [hbm4b:s3+s15], $0x40, s9, s15, $0xb8;
	[tilespmem:$0x16400] =	vst v63  }
0x5d: {  	s9 =	smov.u32 s4  }
0x5e: {  	p0 =	sne.s32 s4, $0x17000;
	s4 =	sadd.s32 $0x1000, s4;
	_ =	swait.ge [sflag:s31], $0x2000  }
0x5f: {  	[sflag:s31] =	ssyncset.done $0x0  }
0x60: {  	[sflag:s31] =	ssyncadd.s32 $0xFFFFE000  }
0x61: {  	_ =	swait.ge [sflag:s31], $0x2000  }
0x62: {  	[sflag:s31] =	ssyncset.done $0x0  }
0x63: {  	[sflag:s31] =	ssyncadd.s32 $0xFFFFE000  }
0x64: {  	[hbm4b:s7+s2] =	stream.linear.scatter [tilespmem:s16], [sflag:$0x5], $0x4000, $0x38;
	[tilespmem:$0x16400] =	vst v63  }
0x65: {  	_ =	swait.ge [sflag:s1], $0x4000  }
0x66: {  	s9 =	sshra.s32 s9, $0x2;
	[sflag:s1] =	ssyncset.done $0x0  }
0x67: {  	s14 =	sadd.s32 $0x400, s9;
	[sflag:s1] =	ssyncadd.s32 $0xFFFFC000  }
0x68: {  	[tilespmem:s16], [sflag:$0x1] =	stream.indirect.gather [hbm4b:s3+s15], $0x40, s14, s15, $0xb8;
	[tilespmem:$0x16400] =	vst v63  }
0x69: {  	s14 =	sadd.s32 $0x480, s9  }
0x6a: {  	[tilespmem:s17], [sflag:$0x1] =	stream.indirect.gather [hbm4b:s3+s15], $0x40, s14, s15, $0xb8;
	[tilespmem:$0x16400] =	vst v63  }
0x6b: {  	_ =	swait.ge [sflag:s0], $0x2000  }
0x6c: {  	[sflag:s0] =	ssyncset.done $0x0  }
0x6d: {  	[sflag:s0] =	ssyncadd.s32 $0xFFFFE000  }
0x6e: {  	_ =	swait.ge [sflag:s0], $0x2000  }
0x6f: {  	[sflag:s0] =	ssyncset.done $0x0  }
0x70: {  	[sflag:s0] =	ssyncadd.s32 $0xFFFFE000  }
0x71: {  	[hbm4b:s5+s2] =	stream.linear.scatter [tilespmem:s19], [sflag:$0x6], $0x4000, $0x38;
	[tilespmem:$0x16400] =	vst v63  }
0x72: {  	_ =	swait.ge [sflag:s18], $0x4000  }
0x73: {  	[sflag:s18] =	ssyncset.done $0x0  }
0x74: {  	s14 =	sadd.s32 $0x500, s9;
	[sflag:s18] =	ssyncadd.s32 $0xFFFFC000  }
0x75: {  	[tilespmem:s19], [sflag:$0x2] =	stream.indirect.gather [hbm4b:s3+s15], $0x40, s14, s15, $0xb8;
	[tilespmem:$0x16400] =	vst v63  }
0x76: {  	s14 =	sadd.s32 $0x580, s9  }
0x77: {  	[tilespmem:s21], [sflag:$0x2] =	stream.indirect.gather [hbm4b:s3+s15], $0x40, s14, s15, $0xb8;
	[tilespmem:$0x16400] =	vst v63  }
0x78: {  	_ =	swait.ge [sflag:s20], $0x2000  }
0x79: {  	[sflag:s20] =	ssyncset.done $0x0  }
0x7a: {  	[sflag:s20] =	ssyncadd.s32 $0xFFFFE000  }
0x7b: {  	_ =	swait.ge [sflag:s20], $0x2000  }
0x7c: {  	[sflag:s20] =	ssyncset.done $0x0  }
0x7d: {  	[sflag:s20] =	ssyncadd.s32 $0xFFFFE000  }
0x7e: {  	[hbm4b:s6+s2] =	stream.linear.scatter [tilespmem:s23], [sflag:$0x7], $0x4000, $0x38;
	[tilespmem:$0x16400] =	vst v63  }
0x7f: {  	_ =	swait.ge [sflag:s22], $0x4000  }
0x80: {  	[sflag:s22] =	ssyncset.done $0x0  }
0x81: {  	s14 =	sadd.s32 $0x600, s9;
	[sflag:s22] =	ssyncadd.s32 $0xFFFFC000  }
0x82: {  	[tilespmem:s23], [sflag:$0x3] =	stream.indirect.gather [hbm4b:s3+s15], $0x40, s14, s15, $0xb8;
	[tilespmem:$0x16400] =	vst v63  }
0x83: {  	s14 =	sadd.s32 $0x680, s9  }
0x84: {  	[tilespmem:s25], [sflag:$0x3] =	stream.indirect.gather [hbm4b:s3+s15], $0x40, s14, s15, $0xb8;
	[tilespmem:$0x16400] =	vst v63  }
0x85: {  	_ =	swait.ge [sflag:s24], $0x2000  }
0x86: {  	[sflag:s24] =	ssyncset.done $0x0  }
0x87: {  	[sflag:s24] =	ssyncadd.s32 $0xFFFFE000  }
0x88: {  	_ =	swait.ge [sflag:s24], $0x2000  }
0x89: {  	[sflag:s24] =	ssyncset.done $0x0  }
0x8a: {  	[sflag:s24] =	ssyncadd.s32 $0xFFFFE000  }
0x8b: {  	[hbm4b:s8+s2] =	stream.linear.scatter [tilespmem:s28], [sflag:$0x8], $0x4000, $0x38;
	[tilespmem:$0x16400] =	vst v63  }
.Ltmp0:
0x8c: {  	_ =	swait.ge [sflag:s26], $0x4000;
	(pc) =	sbr.rel @p0 .LBB2_2-.Ltmp0, $4  }
0x8d: {  	s5 =	sadd.s32 $0x2000, s5;
	[sflag:s26] =	ssyncset.done $0x0  }
0x8e: {  	s6 =	sadd.s32 $0x2000, s6;
	s14 =	sadd.s32 $0x700, s9;
	[sflag:s26] =	ssyncadd.s32 $0xFFFFC000  }
0x8f: {  	[tilespmem:s28], [sflag:$0x4] =	stream.indirect.gather [hbm4b:s3+s15], $0x40, s14, s15, $0xb8;
	[tilespmem:$0x16400] =	vst v63  }
0x90: {  	s7 =	sadd.s32 $0x2000, s7;
	s9 =	sadd.s32 $0x780, s9;
	s8 =	sadd.s32 $0x2000, s8  }
0x91: {  	[tilespmem:s30], [sflag:$0x4] =	stream.indirect.gather [hbm4b:s3+s15], $0x40, s9, s15, $0xb8;
	[tilespmem:$0x16400] =	vst v63  }
0x92: {  	_ =	swait.ge [sflag:s31], $0x2000  }
0x93: {  	[sflag:s31] =	ssyncset.done $0x0  }
0x94: {  	[sflag:s31] =	ssyncadd.s32 $0xFFFFE000  }
0x95: {  	_ =	swait.ge [sflag:s31], $0x2000  }
0x96: {  	[sflag:s31] =	ssyncset.done $0x0  }
0x97: {  	s4 =	rddreg [dreg:$0x4];
	[sflag:s31] =	ssyncadd.s32 $0xFFFFE000  }
0x98: {  	[hbm4b:s4+s2] =	stream.linear.scatter [tilespmem:s16], [sflag:$0x5], $0x4000, $0x38;
	[tilespmem:$0x16400] =	vst v63  }
0x99: {  	_ =	swait.ge [sflag:s0], $0x2000  }
0x9a: {  	[sflag:s0] =	ssyncset.done $0x0  }
0x9b: {  	[sflag:s0] =	ssyncadd.s32 $0xFFFFE000  }
0x9c: {  	_ =	swait.ge [sflag:s0], $0x2000  }
0x9d: {  	[sflag:s0] =	ssyncset.done $0x0  }
0x9e: {  	s7 =	rddreg [dreg:$0x5];
	[sflag:s0] =	ssyncadd.s32 $0xFFFFE000  }
0x9f: {  	[hbm4b:s7+s2] =	stream.linear.scatter [tilespmem:s19], [sflag:$0x6], $0x4000, $0x38;
	[tilespmem:$0x16400] =	vst v63  }
0xa0: {  	_ =	swait.ge [sflag:s20], $0x2000  }
0xa1: {  	[sflag:s20] =	ssyncset.done $0x0  }
0xa2: {  	[sflag:s20] =	ssyncadd.s32 $0xFFFFE000  }
0xa3: {  	_ =	swait.ge [sflag:s20], $0x2000  }
0xa4: {  	[sflag:s20] =	ssyncset.done $0x0  }
0xa5: {  	s8 =	rddreg [dreg:$0x6];
	[sflag:s20] =	ssyncadd.s32 $0xFFFFE000  }
0xa6: {  	[hbm4b:s8+s2] =	stream.linear.scatter [tilespmem:s23], [sflag:$0x7], $0x4000, $0x38;
	[tilespmem:$0x16400] =	vst v63  }
0xa7: {  	_ =	swait.ge [sflag:s24], $0x2000  }
0xa8: {  	[sflag:s24] =	ssyncset.done $0x0  }
0xa9: {  	[sflag:s24] =	ssyncadd.s32 $0xFFFFE000  }
0xaa: {  	_ =	swait.ge [sflag:s24], $0x2000  }
0xab: {  	[sflag:s24] =	ssyncset.done $0x0  }
0xac: {  	s9 =	rddreg [dreg:$0x7];
	[sflag:s24] =	ssyncadd.s32 $0xFFFFE000  }
0xad: {  	[hbm4b:s9+s2] =	stream.linear.scatter [tilespmem:s28], [sflag:$0x8], $0x4000, $0x38;
	[tilespmem:$0x16400] =	vst v63  }
0xae: {  	_ =	swait.ge [sflag:s1], $0x4000  }
0xaf: {  	[sflag:s1] =	ssyncset.done $0x0  }
0xb0: {  	[sflag:s1] =	ssyncadd.s32 $0xFFFFC000  }
0xb1: {  	_ =	swait.ge [sflag:s18], $0x4000  }
0xb2: {  	[sflag:s18] =	ssyncset.done $0x0  }
0xb3: {  	[sflag:s18] =	ssyncadd.s32 $0xFFFFC000  }
0xb4: {  	_ =	swait.ge [sflag:s22], $0x4000  }
0xb5: {  	[sflag:s22] =	ssyncset.done $0x0  }
0xb6: {  	[sflag:s22] =	ssyncadd.s32 $0xFFFFC000  }
0xb7: {  	_ =	swait.ge [sflag:s26], $0x4000  }
0xb8: {  	s29 =	sadd.s32 $0x1, s29;
	s14 =	rddreg [dreg:$0x8]  }
0xb9: {  	p0 =	sne.s32 s29, s14  }
.Ltmp1:
0xba: {  	_ = 	snop;
	(pc) =	sbr.rel @p0 .LBB2_1-.Ltmp1, $3  }
0xbb: {  	_ =	sdelay $0x1  }
0xbc: {  	[sflag:s26] =	ssyncset.done $0x0  }
0xbd: {  	[sflag:s26] =	ssyncadd.s32 $0xFFFFC000  }
0xbe: {  	_ =	sfence.sel $0x180000  }
0xbf: {  	[bflag:$0x0] =	sbarrier.arrive $0xFFFF  }
0xc0: {  	_ =	strace $0x90000047  }
0xc1: {  	s0 =	stileid.u32;
	[bflag:$0x2] =	sbarrier.arrive $0xFFFF  }
0xc2: {  	p0 =	sne.s32 s0, $0x0;
	s0 =	rddreg [dreg:$0x2]  }
0xc3: {  	s0 =	sadd.s32 @!p0 $0x100000, s0  }
0xc4: {  	[sflag:s0] =	ssyncadd.tile.s32 @!p0 $0x1;
	_ =	shalt  }
.Lfunc_end2:
_tile_overlayer_lowered:
.L_overlay_start_2:
0xc5: {  	(tag) =	ssettag $0x2  }
0xc6: {  	s0 =	rddreg [dreg:$0x0];
	s2 =	stileid.u32  }
0xc7: {  	s1 =	rddreg [dreg:$0x1];
	p0 =	sne.s32 s2, $0x0  }
0xc8: {  	s3 =	rddreg [dreg:$0x2];
	[bflag:$0x3] =	sbarrier.arrive $0xFFFF;
	s2 =	simm.s32 @!p0 $0x1C09  }
0xc9: {  	[timem:s3], [sflag:s2] =	dma.local @!p0 [hbm:s0], s1  }
0xca: {  	s0 =	simm.s32 @!p0 $0x9  }
0xcb: {  	_ =	swait.ge @!p0 [sflag:s0], s1  }
0xcc: {  	s1 =	ssub.s32 @!p0 $0x0, s1;
	[sflag:s0] =	ssyncset.done @!p0 $0x0  }
0xcd: {  	[sflag:s0] =	ssyncadd.s32 @!p0 s1  }
0xce: {  	[bflag:$0x3] =	sbarrier.arrive $0xFFFF  }
0xcf: {  	_ =	shalt  }

// kernel: sparse-core-data-format-call.cloned.1.call-start
scs
called_computation_lowered:
.L_overlay_start_0:
0x0: {  	s2 =	sld [smem:$0x3FD9]  }
0x1: {  	s3 =	sld [smem:$0x3FFE];
	_ =	sdelay $0x1  }
0x2: {  	s1 =	srdreg.scid  }
0x3: {  	s0 =	sand.u32 $0x1, s1  }
0x4: {  	s18 =	sshll.u32 s0, $0xA;
	s2 =	sadd.s32 s3, s2  }
0x5: {  	s2 =	sadd.s32 s2, s18  }
0x6: {  	[smem:$0x3FC6] =	sst s2  }
0x7: {  	_ = 	snop  }
0x8: {  	s2 =	sld [smem:$0x3FD0];
	(tm) =	ssettm $0x1  }
0x9: {  	s19 =	sld [smem:$0x3FFB];
	_ =	sdelay $0x3  }
0xa: {  	_ =	strace s19  }
0xb: {  	s3 =	sld [smem:$0x3FFC];
	_ =	sdelay $0x3  }
0xc: {  	_ =	strace s3  }
0xd: {  	s3 =	sld [smem:$0x3FFD];
	_ =	sdelay $0x3  }
0xe: {  	_ =	strace s3  }
0xf: {  	_ =	strace $0x8FFFFFFF  }
0x10: {  	s20 =	sld [smem:$0x3FDB];
	_ =	sdelay $0x1  }
0x11: {  	s4 =	simm.s32 $_scs_section_size  }
0x12: {  	s5 =	simm.s32 $_size__tile_overlayer_lowered;
	s6 =	simm.s32 $_tile_overlayer_lowered  }
0x13: {  	s23 =	simm.s32 $0x1BFF;
	s22 =	sshll.u32 s6, $0x1;
	s3 =	sadd.s32 s4, s20  }
0x14: {  	s7 =	simm.s32 $0x0;
	s21 =	sshll.u32 s5, $0x1;
	s5 =	sadd.s32 s22, s3  }
0x15: {  	[timem:s7], [sflag:s23] =	dma.local [hbm:s5], s21  }
0x16: {  	_ =	swait.ge [sflag:s23], s21  }
0x17: {  	s4 =	ssub.s32 $0x0, s21;
	[sflag:s23] =	ssyncset.done $0x0  }
0x18: {  	[sflag:s23] =	ssyncadd.s32 s4;
	_ =	sdelay $0x1  }
0x19: {  	s24 =	simm.s32 $0x1B8B  }
0x1a: {  	_ =	swait.ge [sflag:s24], $0x1  }
0x1b: {  	[sflag:s24] =	ssyncset.done $0x0  }
0x1c: {  	s26 =	simm.s32 $0x1B8E;
	s25 =	sld [smem:$0x3FFE];
	[sflag:s24] =	ssyncadd.s32 $0xFFFFFFFF  }
0x1d: {  	s27 =	simm.s32 $execute0_lowered;
	[smem:$0x3FD2] =	sst s26  }
0x1e: {  	s5 =	sshll.u32 s27, $0x1;
	_ =	strace $0x80000049;
	[dreg:$0x1] =	wrdreg $0xFFFFFFFF  }
0x1f: {  	s28 =	simm.s32 $_size_execute0_lowered;
	s3 =	sadd.s32 s3, s5;
	[dreg:$0x0] =	wrdreg $0x0  }
0x20: {  	s5 =	sshll.u32 s28, $0x1;
	[dreg:$0x2] =	wrdreg s3  }
0x21: {  	[dreg:$0x3] =	wrdreg s5  }
0x22: {  	[dreg:$0x4] =	wrdreg $0xC0  }
0x23: {  	_ =	task [dreg:s7], $0x5FFFF  }
0x24: {  	[dreg:$0x1] =	wrdreg $0xFFFFFFFF  }
0x25: {  	[dreg:$0x0] =	wrdreg $0x60  }
0x26: {  	[dreg:$0x2] =	wrdreg s25  }
0x27: {  	[dreg:$0x3] =	wrdreg s2  }
0x28: {  	[dreg:$0x4] =	wrdreg $0x9  }
0x29: {  	_ =	task.clear_ibuf [dreg:s7], $0x5FFFF;
	_ =	strace $0x90000049  }
0x2a: {  	s29 =	simm.s32 $0x9;
	_ =	strace $0x8000004B  }
0x2b: {  	_ =	swait.ge [sflag:s29], $0x1  }
0x2c: {  	[sflag:s29] =	ssyncadd.s32 $0xFFFFFFFF  }
0x2d: {  	_ =	strace $0x9000004B  }
0x2e: {  	_ =	sfence  }
0x2f: {  	s30 =	sld [smem:$0x0];
	_ =	sdelay $0x2  }
0x30: {  	s31 =	sshll.u32 s1, $0xD;
	s1 =	sshrl.u32 s1, $0x2  }
0x31: {  	s3 =	sand.u32 $0x4000, s31;
	s1 =	sadd.s32 s1, s30  }
0x32: {  	s0 =	sor.u32 s3, s0;
	s1 =	sshll.u32 s1, $0x11  }
0x33: {  	s0 =	sor.u32 s1, s0  }
0x34: {  	s0 =	sadd.s32 $0x8F2B, s0  }
0x35: {  	[sflag:s0] =	ssyncadd.remote.s32 $0x1  }
0x36: {  	_ =	sfence.sel $0xFFFF  }
0x37: {  	[dreg:$0x0] =	wrdreg $0xFFFFFFFF;
	(pc) =	sbr.abs _section_cstart, $3  }
0x38: {  	[dreg:$0x1] =	wrdreg $0xFFFFFFFF  }
0x39: {  	_ =	task.clear_ibuf [dreg:s7], $0x2FFFF;
	_ =	strace $0x9FFFFFFF  }
0x3a: {  	(tm) =	ssettm $0x7FFFFFFF  }
0x3b: {  	_ =	shalt  }
tec
execute0_lowered:
.L_overlay_start_1:
0x0: {  	(tag) =	ssettag $0x1  }
0x1: {  	s0 =	srdreg.scid  }
0x2: {  	s1 =	sshll.u32 s0, $0x4  }
0x3: {  	s0 =	stileid.u32;
	s1 =	sand.u32 $0x10, s1  }
0x4: {  	s1 =	sor.u32 s0, s1  }
0x5: {  	s6 =	rddreg [dreg:$0x0];
	s4 =	simm.s32 $0x1;
	s2 =	sshll.u32 s1, $0x7  }
0x6: {  	s7 =	simm.s32 $0x2;
	s12 =	simm.s32 $0x0;
	s1 =	ssub.s32 $0x1000, s2  }
0x7: {  	s8 =	simm.s32 $0x8000;
	s13 =	simm.s32 $0x0;
	s3 =	sand.u32 $0xF80, s1  }
0x8: {  	s9 =	simm.s32 $0x0;
	s5 =	sshrl.u32 s1, $0xC;
	p0 =	sne.s32 s3, $0x0  }
.Ltmp0:
0x9: {  	s1 =	rddreg [dreg:$0x2];
	s4 =	simm.s32 @!p0 $0x0;
	(pc) =	sbr.rel .LBB1_1-.Ltmp0, $4  }
0xa: {  	s11 =	simm.s32 $0x0;
	s3 =	rddreg [dreg:$0x1];
	s5 =	sadd.s32 s4, s5  }
0xb: {  	_ =	strace $0x8000004A;
	s4 =	simm.s32 $0x1;
	s5 =	smul.u32 $0xC8, s5  }
0xc: {  	s6 =	sadd.s32 $0xA00, s6;
	s10 =	smov.u32 s2;
	[sflag:s4] =	ssyncpa.u1 $0x0  }
0xd: {  	p0 =	por $0x0, $0x0;
	[sflag:s7] =	ssyncpa.u1 $0x0;
	s7 =	sor.u32 $0x1, s5  }
.LBB1_4:
0xe: {  	s16 =	sshll.u32 s13, $0x3;
	s17 =	sand.u32 $0x78, s13  }
0xf: {  	s30 =	sand.u32 $0x7E00, s13;
	s12 =	sshll.u32 s12, $0xF;
	s16 =	sand.u32 $0xC00, s16  }
0x10: {  	[tilespmem:s15+$0x810 ss:$0x81] =	vst.msk $0xffff, v2;
	s31 =	sand.u32 $0x7, s13;
	s16 =	sor.u32 s17, s16;
	s17 =	sadd.s32 s3, s30  }
0x11: {  	[tilespmem:s15+$0x1020 ss:$0x81] =	vst.msk $0xffff, v0;
	s13 =	sshll.u32 s31, $0x12;
	s12 =	sadd.s32 s12, s17;
	s16 =	sshrl.u32 s16, $0x3  }
0x12: {  	[tilespmem:s15+$0x0 ss:$0x81] =	vst.msk $0xffff, v1;
	s13 =	sor.u32 $0x400, s13;
	s12 =	sadd.s32 s16, s12  }
0x13: {  	[hbm4b:s12+s13] =	stream.strided.scatter [tilespmem:s14], [sflag:$0x2], $0x2000, s8, s13, $0x20;
	[tilespmem:$0x8080] =	vst v63  }
.LBB1_5:
0x14: {  	s14 =	sadd.s32 $0x1, s9  }
0x15: {  	s12 =	sadd.s32 $0x1000, s10;
	s16 =	smov.u32 s10;
	p2 =	sgt.s32 s14, $0xC7  }
0x16: {  	s16 =	smov.u32 @p2 s12  }
0x17: {  	s14 =	simm.s32 @p2 $0x0;
	p2 =	sgt.s32 s16, $0xFFF  }
0x18: {  	s16 =	smov.u32 @p2 s2;
	p2 =	sne.s32 s11, s7  }
.Ltmp1:
0x19: {  	p1 =	slt.u32 s11, $0x2;
	(pc) =	sbr.rel @!p2 .LBB1_6-.Ltmp1, $4  }
0x1a: {  	s15 =	simm.s32 @!p1 $0x2  }
0x1b: {  	s13 =	smov.u32 s10;
	p0 =	por !p0, !p0;
	_ =	swait.ge @!p1 [sflag:s15], $0x2000  }
0x1c: {  	s12 =	smov.u32 s9;
	[sflag:s15] =	ssyncset.done @!p1 $0x0;
	s9 =	smov.u32 s14  }
0x1d: {  	s11 =	sadd.s32 $0x1, s11;
	[sflag:s15] =	ssyncadd.s32 @!p1 $0xFFFFE000;
	s10 =	smov.u32 s16  }
.LBB1_1:
0x1e: {  	p1 =	sge.u32 s11, s5  }
0x1f: {  	s14 =	sand.u32 @!p1 $0x1FFFFFF, s9  }
0x20: {  	s15 =	smulhi.u32 @!p1 $0x147AE15, s14;
	_ =	sdelay $0x1  }
0x21: {  	s15 =	smul.u32 @!p1 $0xC8, s15  }
0x22: {  	s16 =	sxor.u32 @!p1 $0xFFFFFFFF, s11;
	s17 =	smul.u32 @!p1 $0xC80, s10  }
0x23: {  	s31 =	sadd.s32 $0xFFFFFFFF, s11;
	s16 =	sshll.u32 @!p1 s16, $0xD;
	s14 =	ssub.s32 @!p1 s14, s15  }
0x24: {  	s15 =	sand.u32 @!p1 $0x2000, s16;
	s16 =	sadd.s32 @!p1 s6, s17;
	s14 =	sshll.u32 @!p1 s14, $0x4  }
0x25: {  	s17 =	simm.s32 @!p1 $0x6400;
	s14 =	sadd.s32 @!p1 s14, s16;
	s16 =	simm.s32 @!p1 $0x40  }
0x26: {  	[tilespmem:s15], [sflag:$0x1] =	stream.strided.gather @!p1 [hbm4b:s14+s16], $0x2000, s17, s16, $0x38;
	[tilespmem:$0x8080] =	vst v63  }
0x27: {  	p1 =	sge.u32 s31, s5  }
.Ltmp2:
0x28: {  	_ = 	snop;
	(pc) =	sbr.rel @p1 .LBB1_5-.Ltmp2, $1  }
0x29: {  	_ =	sdelay $0x3  }
0x2a: {  	s14 =	simm.s32 $0x1  }
0x2b: {  	_ =	swait.ge [sflag:s4], $0x2000;
	s14 =	simm.s32 @!p0 $0x0  }
0x2c: {  	[sflag:s4] =	ssyncset.done $0x0;
	s15 =	sshll.u32 s14, $0xD  }
0x2d: {  	[sflag:s4] =	ssyncadd.s32 $0xFFFFE000;
	s18 =	sor.u32 $0x20, s15  }
0x2e: {  	s14 =	smul.u32 $0x8100, s14;
	v3 =	vld [tilespmem:s18+$0x10]  }
0x2f: {  	s30 =	sand.u32 $0x1, s11;
	v2 =	vld [tilespmem:s18+$0xFFFFFFF0]  }
0x30: {  	s15 =	smul.u32 $0x8100, s30;
	s14 =	sshrl.u32 s14, $0x2;
	v0 =	vld [tilespmem:s18+$0x0]  }
0x31: {  	v1 =	vld [tilespmem:s18+$0xFFFFFFE0];
	s16 =	sor.u32 $0x4000, s14  }
0x32: {  	s31 =	sshrl.u32 s15, $0x2;
	s15 =	sadd.s32 $0x0, s16  }
0x33: {  	s17 =	simm.s32 $0x4;
	s18 =	sadd.s32 $0x40, s18;
	s14 =	sor.u32 $0x4000, s31;
	[tilespmem:s15+$0x1830 ss:$0x81] =	vst.msk $0xffff, v3  }
.LBB1_3:
0x34: {  	v3 =	vld [tilespmem:s18+$0x10];
	p1 =	sne.s32 s17, $0x1FC;
	[tilespmem:s15+$0x810 ss:$0x81] =	vst.msk $0xffff, v2;
	s19 =	smov.u32 s17;
	s17 =	sadd.s32 $0x4, s17  }
.Ltmp3:
0x35: {  	v2 =	vld [tilespmem:s18+$0xFFFFFFF0];
	[tilespmem:s15+$0x1020 ss:$0x81] =	vst.msk $0xffff, v0;
	(pc) =	sbr.rel @p1 .LBB1_3-.Ltmp3, $4  }
0x36: {  	v0 =	vld [tilespmem:s18+$0x0];
	[tilespmem:s15+$0x0 ss:$0x81] =	vst.msk $0xffff, v1  }
0x37: {  	s15 =	sshra.s32 s19, $0x2;
	v1 =	vld [tilespmem:s18+$0xFFFFFFE0]  }
0x38: {  	s15 =	sadd.s32 s15, s16  }
0x39: {  	s18 =	sadd.s32 $0x40, s18;
	[tilespmem:s15+$0x1830 ss:$0x81] =	vst.msk $0xffff, v3  }
.Ltmp4:
0x3a: {  	_ = 	snop;
	(pc) =	sbr.rel .LBB1_4-.Ltmp4, $1  }
0x3b: {  	_ =	sdelay $0x3  }
.LBB1_6:
0x3c: {  	_ =	sfence.sel $0x180000  }
0x3d: {  	s2 =	simm.s32 $0x1;
	[bflag:$0x0] =	sbarrier.arrive $0xFFFF  }
0x3e: {  	s31 =	simm.s32 $0x2;
	[sflag:s2] =	ssyncpa.u1 $0x1  }
0x3f: {  	[sflag:s31] =	ssyncpa.u1 $0x1  }
0x40: {  	p0 =	sne.s32 s0, $0x0;
	_ =	strace $0x9000004A  }
0x41: {  	s0 =	sadd.s32 @!p0 $0x100000, s1;
	[bflag:$0x2] =	sbarrier.arrive $0xFFFF  }
0x42: {  	[sflag:s0] =	ssyncadd.tile.s32 @!p0 $0x1;
	_ =	shalt  }
.Lfunc_end1:
_tile_overlayer_lowered:
.L_overlay_start_2:
0x43: {  	(tag) =	ssettag $0x2  }
0x44: {  	s0 =	rddreg [dreg:$0x0];
	s2 =	stileid.u32  }
0x45: {  	s1 =	rddreg [dreg:$0x1];
	p0 =	sne.s32 s2, $0x0  }
0x46: {  	s3 =	rddreg [dreg:$0x2];
	[bflag:$0x3] =	sbarrier.arrive $0xFFFF;
	s2 =	simm.s32 @!p0 $0x1C01  }
0x47: {  	[timem:s3], [sflag:s2] =	dma.local @!p0 [hbm:s0], s1  }
0x48: {  	s0 =	simm.s32 @!p0 $0x1  }
0x49: {  	_ =	swait.ge @!p0 [sflag:s0], s1  }
0x4a: {  	s1 =	ssub.s32 @!p0 $0x0, s1;
	[sflag:s0] =	ssyncset.done @!p0 $0x0  }
0x4b: {  	[sflag:s0] =	ssyncadd.s32 @!p0 s1  }
0x4c: {  	[bflag:$0x3] =	sbarrier.arrive $0xFFFF  }
0x4d: {  	_ =	shalt  }

</sc_bundles>
